<compile_context>
chip_gen: v7x
topology: tpu7x:2x2x1
jax: 0.10.2.dev20260603
libtpu: 0.0.44.dev20260713+nightly
codegen_flags: <defaults>
</compile_context>

<pallas_src>
import functools

import jax
import jax.numpy as jnp
from jax import lax
from jax.experimental import pallas as pl
from jax.experimental.pallas import tpu as pltpu
from jax.experimental.pallas import tpu_sc as plsc

EMB_DIM = 32
NUM_CORES = 2
NUM_SUBCORES = 16
G = 4
TOK = G * 128
SB_PER_S = 128 // G


@functools.lru_cache(maxsize=None)
def _make_gather(n_seq, seq_len):
    NW = NUM_CORES * NUM_SUBCORES
    B = n_seq * seq_len
    assert B % (NW * TOK) == 0
    n = B // (NW * TOK)
    n_tiles = n_seq // 128
    mesh = plsc.VectorSubcoreMesh(core_axis_name="c", subcore_axis_name="s")

    scratch = (
        [pltpu.VMEM((G, 128), jnp.int32)] * 2
        + [pltpu.VMEM((TOK, EMB_DIM), jnp.float32)] * 2
        + [pltpu.VMEM((4, G, 8, 129), jnp.float32)] * 2
        + [pltpu.SemaphoreType.DMA] * 6
    )

    @functools.partial(
        pl.kernel,
        out_type=jax.ShapeDtypeStruct(
            (seq_len, 4, n_tiles, 8, 128), jnp.float32
        ),
        mesh=mesh,
        scratch_types=scratch,
        compiler_params=pltpu.CompilerParams(
            use_tc_tiling_on_sc=False, needs_layout_passes=False
        ),
    )
    def gather_kernel(idxp_hbm, table_hbm, out_hbm, *scr):
        idxv = scr[0:2]
        rowsv = scr[2:4]
        mv = scr[4:6]
        isem = scr[6:8]
        gsem = scr[8:10]
        ssem = scr[10:12]

        wid = lax.axis_index("s") * NUM_CORES + lax.axis_index("c")
        u0 = wid * n

        def sb_coords(g):
            u = u0 + g
            s = u // SB_PER_S
            nbk = (u % SB_PER_S) * G
            return s // 8, s % 8, s, nbk

        def idx_copy(g, b):
            sr, si, _, nbk = sb_coords(g)
            return pltpu.make_async_copy(
                idxp_hbm.at[sr, pl.ds(nbk, G), si], idxv[b], isem[b]
            )

        def gather_copy(g, b, kk):
            return pltpu.make_async_copy(
                table_hbm.at[idxv[b].at[kk]],
                rowsv[b].at[pl.ds(kk * 128, 128)],
                gsem[b],
            )

        def store_copy(g, b):
            _, _, s, nbk = sb_coords(g)
            return pltpu.make_async_copy(
                mv[b].at[:, :, :, pl.ds(0, 128)],
                out_hbm.at[s, :, pl.ds(nbk, G)],
                ssem[b],
            )

        dvec = jnp.arange(16, dtype=jnp.int32)
        dt_lo, dr_lo = dvec // 8, dvec % 8
        dt_hi = dt_lo + 2

        def transpose(b):
            rows = rowsv[b]
            m = mv[b]
            for kk in range(G):
                kvec = jnp.full((16,), kk, jnp.int32)

                @plsc.parallel_loop(0, 128, 1, unroll=4)
                def _(c):
                    t = kk * 128 + c
                    cvec = jnp.full((16,), c, jnp.int32)
                    lo = rows[t, pl.ds(0, 16)]
                    hi = rows[t, pl.ds(16, 16)]
                    plsc.store_scatter(m, [dt_lo, kvec, dr_lo, cvec], lo)
                    plsc.store_scatter(m, [dt_hi, kvec, dr_lo, cvec], hi)

        idx_copy(0, 0).start()

        def body(j, carry):
            for p in (0, 1):
                g = 2 * j + p
                b = p
                bo = 1 - p

                @pl.when(g < n)
                def _():
                    idx_copy(g, b).wait()
                    for kk in range(G):
                        gather_copy(g, b, kk).start()

                @pl.when(jnp.logical_and(g >= 1, g <= n))
                def _():
                    for kk in range(G):
                        gather_copy(g - 1, bo, kk).wait()

                    @pl.when(g >= 3)
                    def _():
                        store_copy(g - 3, bo).wait()

                    transpose(bo)
                    store_copy(g - 1, bo).start()

                @pl.when(g + 1 < n)
                def _():
                    idx_copy(g + 1, bo).start()

            return carry

        lax.fori_loop(0, (n + 3) // 2, body, 0)

        store_copy(n - 2, (n - 2) % 2).wait()
        store_copy(n - 1, (n - 1) % 2).wait()

    return gather_kernel


@jax.jit
def kernel(input, weight):
    n_seq, seq_len = input.shape
    idx = input.astype(jnp.int32)
    idxp = (
        idx.T.reshape(seq_len // 8, 8, n_seq // 128, 128).transpose(0, 2, 1, 3)
    )
    out5 = _make_gather(n_seq, seq_len)(idxp, weight)
    return out5.transpose(2, 4, 0, 1, 3).reshape(n_seq, seq_len, EMB_DIM)

# --- scband reference (transcript-rebuilt; emitter-appended) ---
"""Pipeline reference for scband-embedding-6579889897860 (READ-ONLY COPY).

The authoritative reference and input builder live on the scoring server;
editing this copy changes nothing except your own understanding.
"""

import jax, jax.numpy as jnp
import numpy as np

NUM_EMBEDDINGS = 1000000
EMBEDDING_DIM = 32

def setup_inputs(seed: int = 0) -> dict:
    key = jax.random.key(seed)
    k_idx, k_w = jax.random.split(key)
    indices = jax.random.randint(k_idx, (16384, 200), 0, NUM_EMBEDDINGS, dtype=jnp.int64 if jax.config.jax_enable_x64 else jnp.int32)
    weight = jax.random.normal(k_w, (NUM_EMBEDDINGS, EMBEDDING_DIM), dtype=jnp.float32)
    return {"input": indices, "weight": weight}

def reference(input, weight):
    # Faithful translation of torch.nn.Embedding forward:
    # padding_idx=None, max_norm=None, scale_grad_by_freq=False, sparse=False
    # -> plain row gather from the embedding table.
    return jnp.take(weight, input, axis=0)

if __name__ == "__main__":
    import jax
    _d = setup_inputs()
    print(jax.jit(kernel)(*tuple(_d.values())))

</pallas_src>

<mosaic_0001>
#map = affine_map<(d0, d1) -> (0, 0, 0, 0)>
#map1 = affine_map<(d0, d1) -> (0, 0)>
#map2 = affine_map<(d0, d1) -> (0, 0, 0, 0, 0)>
module attributes {stable_mosaic.version = 14 : i64} {
  func.func @gather_kernel(%arg0: i32, %arg1: i32, %arg2: memref<25x128x8x128xi32, #tpu.memory_space<hbm>>, %arg3: memref<1000000x32xf32, #tpu.memory_space<hbm>>, %arg4: memref<200x4x128x8x128xf32, #tpu.memory_space<hbm>>, %arg5: memref<4x128xi32, #tpu.memory_space<vmem>>, %arg6: memref<4x128xi32, #tpu.memory_space<vmem>>, %arg7: memref<512x32xf32, #tpu.memory_space<vmem>>, %arg8: memref<512x32xf32, #tpu.memory_space<vmem>>, %arg9: memref<4x4x8x129xf32, #tpu.memory_space<vmem>>, %arg10: memref<4x4x8x129xf32, #tpu.memory_space<vmem>>, %arg11: memref<!tpu.dma_semaphore, #tpu.memory_space<semaphore_mem>>, %arg12: memref<!tpu.dma_semaphore, #tpu.memory_space<semaphore_mem>>, %arg13: memref<!tpu.dma_semaphore, #tpu.memory_space<semaphore_mem>>, %arg14: memref<!tpu.dma_semaphore, #tpu.memory_space<semaphore_mem>>, %arg15: memref<!tpu.dma_semaphore, #tpu.memory_space<semaphore_mem>>, %arg16: memref<!tpu.dma_semaphore, #tpu.memory_space<semaphore_mem>>) attributes {dimension_semantics = [#tpu.dimension_semantics<core_parallel>, #tpu.dimension_semantics<subcore_parallel>], iteration_bounds = array<i64: 2, 16>, scalar_prefetch = 0 : i64, scratch_operands = 12 : i64, tpu.core_type = #tpu.core_type<sc_vector_subcore>, window_params = [{transform_indices = #map}, {transform_indices = #map1}, {transform_indices = #map2}]} {
    %mul3A = arith.constant 2 : i32
    %mul3A_0 = arith.muli %arg1, %mul3A : i32
    %add3A = arith.addi %mul3A_0, %arg0 : i32
    %mul3A_1 = arith.constant 200 : i32
    %mul3A_2 = arith.muli %add3A, %mul3A_1 : i32
    %iota3A = tpu.iota {dimensions = array<i32: 0>} : vector<16xi32>
    %jit3A = arith.constant 8 : i32
    %div3A = vector.broadcast %jit3A : i32 to vector<16xi32>
    %div3A_3 = arith.divsi %iota3A, %div3A : vector<16xi32>
    %sign3A = arith.constant 0 : i32
    %sign3A_4 = vector.broadcast %sign3A : i32 to vector<16xi32>
    %sign3A_5 = arith.cmpi sgt, %iota3A, %sign3A_4 : vector<16xi32>
    %sign3A_6 = arith.extui %sign3A_5 : vector<16xi1> to vector<16xi32>
    %sign3A_7 = arith.constant 0 : i32
    %sign3A_8 = vector.broadcast %sign3A_7 : i32 to vector<16xi32>
    %sign3A_9 = arith.cmpi slt, %iota3A, %sign3A_8 : vector<16xi32>
    %sign3A_10 = arith.extui %sign3A_9 : vector<16xi1> to vector<16xi32>
    %sign3A_11 = arith.subi %sign3A_6, %sign3A_10 : vector<16xi32>
    %sign3A_12 = arith.constant 0 : i32
    %sign3A_13 = arith.cmpi sgt, %jit3A, %sign3A_12 : i32
    %sign3A_14 = arith.extui %sign3A_13 : i1 to i32
    %sign3A_15 = arith.constant 0 : i32
    %sign3A_16 = arith.cmpi slt, %jit3A, %sign3A_15 : i32
    %sign3A_17 = arith.extui %sign3A_16 : i1 to i32
    %sign3A_18 = arith.subi %sign3A_14, %sign3A_17 : i32
    %ne3A = vector.broadcast %sign3A_18 : i32 to vector<16xi32>
    %ne3A_19 = arith.cmpi ne, %sign3A_11, %ne3A : vector<16xi32>
    %rem3A = vector.broadcast %jit3A : i32 to vector<16xi32>
    %rem3A_20 = arith.remsi %iota3A, %rem3A : vector<16xi32>
    %ne3A_21 = arith.constant 0 : i32
    %ne3A_22 = vector.broadcast %ne3A_21 : i32 to vector<16xi32>
    %ne3A_23 = arith.cmpi ne, %rem3A_20, %ne3A_22 : vector<16xi32>
    %and3A = arith.andi %ne3A_19, %ne3A_23 : vector<16xi1>
    %sub3A = arith.constant 1 : i32
    %sub3A_24 = vector.broadcast %sub3A : i32 to vector<16xi32>
    %sub3A_25 = arith.subi %div3A_3, %sub3A_24 : vector<16xi32>
    %select_n3A = arith.select %and3A, %sub3A_25, %div3A_3 : vector<16xi1>, vector<16xi32>
    %jit3A_26 = arith.constant 8 : i32
    %eq3A = arith.constant 0 : i32
    %eq3A_27 = arith.cmpi eq, %jit3A_26, %eq3A : i32
    %jit3A_28 = arith.constant 1 : i32
    %select_n3A_29 = arith.select %eq3A_27, %jit3A_28, %jit3A_26 : i32
    %rem3A_30 = vector.broadcast %select_n3A_29 : i32 to vector<16xi32>
    %rem3A_31 = arith.remsi %iota3A, %rem3A_30 : vector<16xi32>
    %ne3A_32 = arith.constant 0 : i32
    %ne3A_33 = vector.broadcast %ne3A_32 : i32 to vector<16xi32>
    %ne3A_34 = arith.cmpi ne, %rem3A_31, %ne3A_33 : vector<16xi32>
    %lt3A = arith.constant 0 : i32
    %lt3A_35 = vector.broadcast %lt3A : i32 to vector<16xi32>
    %lt3A_36 = arith.cmpi slt, %rem3A_31, %lt3A_35 : vector<16xi32>
    %lt3A_37 = arith.constant 0 : i32
    %lt3A_38 = arith.cmpi slt, %select_n3A_29, %lt3A_37 : i32
    %ne3A_39 = vector.broadcast %lt3A_38 : i1 to vector<16xi1>
    %ne3A_40 = vector.broadcast %ne3A_39 : vector<16xi1> to vector<16xi1>
    %ne3A_41 = arith.xori %lt3A_36, %ne3A_40 : vector<16xi1>
    %and3A_42 = arith.andi %ne3A_41, %ne3A_34 : vector<16xi1>
    %add3A_43 = vector.broadcast %select_n3A_29 : i32 to vector<16xi32>
    %add3A_44 = arith.addi %rem3A_31, %add3A_43 : vector<16xi32>
    %select_n3A_45 = arith.select %and3A_42, %add3A_44, %rem3A_31 : vector<16xi1>, vector<16xi32>
    %add3A_46 = arith.constant 2 : i32
    %add3A_47 = vector.broadcast %add3A_46 : i32 to vector<16xi32>
    %add3A_48 = arith.addi %select_n3A, %add3A_47 : vector<16xi32>
    %add3A_49 = arith.constant 0 : i32
    %add3A_50 = arith.addi %mul3A_2, %add3A_49 : i32
    %jit3A_51 = arith.constant 32 : i32
    %div3A_52 = arith.divsi %add3A_50, %jit3A_51 : i32
    %sign3A_53 = arith.constant 0 : i32
    %sign3A_54 = arith.cmpi sgt, %add3A_50, %sign3A_53 : i32
    %sign3A_55 = arith.extui %sign3A_54 : i1 to i32
    %sign3A_56 = arith.constant 0 : i32
    %sign3A_57 = arith.cmpi slt, %add3A_50, %sign3A_56 : i32
    %sign3A_58 = arith.extui %sign3A_57 : i1 to i32
    %sign3A_59 = arith.subi %sign3A_55, %sign3A_58 : i32
    %sign3A_60 = arith.constant 0 : i32
    %sign3A_61 = arith.cmpi sgt, %jit3A_51, %sign3A_60 : i32
    %sign3A_62 = arith.extui %sign3A_61 : i1 to i32
    %sign3A_63 = arith.constant 0 : i32
    %sign3A_64 = arith.cmpi slt, %jit3A_51, %sign3A_63 : i32
    %sign3A_65 = arith.extui %sign3A_64 : i1 to i32
    %sign3A_66 = arith.subi %sign3A_62, %sign3A_65 : i32
    %ne3A_67 = arith.cmpi ne, %sign3A_59, %sign3A_66 : i32
    %rem3A_68 = arith.remsi %add3A_50, %jit3A_51 : i32
    %ne3A_69 = arith.constant 0 : i32
    %ne3A_70 = arith.cmpi ne, %rem3A_68, %ne3A_69 : i32
    %and3A_71 = arith.andi %ne3A_67, %ne3A_70 : i1
    %sub3A_72 = arith.constant 1 : i32
    %sub3A_73 = arith.subi %div3A_52, %sub3A_72 : i32
    %select_n3A_74 = arith.select %and3A_71, %sub3A_73, %div3A_52 : i32
    %jit3A_75 = arith.constant 32 : i32
    %eq3A_76 = arith.constant 0 : i32
    %eq3A_77 = arith.cmpi eq, %jit3A_75, %eq3A_76 : i32
    %jit3A_78 = arith.constant 1 : i32
    %select_n3A_79 = arith.select %eq3A_77, %jit3A_78, %jit3A_75 : i32
    %rem3A_80 = arith.remsi %add3A_50, %select_n3A_79 : i32
    %ne3A_81 = arith.constant 0 : i32
    %ne3A_82 = arith.cmpi ne, %rem3A_80, %ne3A_81 : i32
    %lt3A_83 = arith.constant 0 : i32
    %lt3A_84 = arith.cmpi slt, %rem3A_80, %lt3A_83 : i32
    %lt3A_85 = arith.constant 0 : i32
    %lt3A_86 = arith.cmpi slt, %select_n3A_79, %lt3A_85 : i32
    %ne3A_87 = arith.xori %lt3A_84, %lt3A_86 : i1
    %and3A_88 = arith.andi %ne3A_87, %ne3A_82 : i1
    %add3A_89 = arith.addi %rem3A_80, %select_n3A_79 : i32
    %select_n3A_90 = arith.select %and3A_88, %add3A_89, %rem3A_80 : i32
    %mul3A_91 = arith.constant 4 : i32
    %mul3A_92 = arith.muli %select_n3A_90, %mul3A_91 : i32
    %jit3A_93 = arith.constant 8 : i32
    %div3A_94 = arith.divsi %select_n3A_74, %jit3A_93 : i32
    %sign3A_95 = arith.constant 0 : i32
    %sign3A_96 = arith.cmpi sgt, %select_n3A_74, %sign3A_95 : i32
    %sign3A_97 = arith.extui %sign3A_96 : i1 to i32
    %sign3A_98 = arith.constant 0 : i32
    %sign3A_99 = arith.cmpi slt, %select_n3A_74, %sign3A_98 : i32
    %sign3A_100 = arith.extui %sign3A_99 : i1 to i32
    %sign3A_101 = arith.subi %sign3A_97, %sign3A_100 : i32
    %sign3A_102 = arith.constant 0 : i32
    %sign3A_103 = arith.cmpi sgt, %jit3A_93, %sign3A_102 : i32
    %sign3A_104 = arith.extui %sign3A_103 : i1 to i32
    %sign3A_105 = arith.constant 0 : i32
    %sign3A_106 = arith.cmpi slt, %jit3A_93, %sign3A_105 : i32
    %sign3A_107 = arith.extui %sign3A_106 : i1 to i32
    %sign3A_108 = arith.subi %sign3A_104, %sign3A_107 : i32
    %ne3A_109 = arith.cmpi ne, %sign3A_101, %sign3A_108 : i32
    %rem3A_110 = arith.remsi %select_n3A_74, %jit3A_93 : i32
    %ne3A_111 = arith.constant 0 : i32
    %ne3A_112 = arith.cmpi ne, %rem3A_110, %ne3A_111 : i32
    %and3A_113 = arith.andi %ne3A_109, %ne3A_112 : i1
    %sub3A_114 = arith.constant 1 : i32
    %sub3A_115 = arith.subi %div3A_94, %sub3A_114 : i32
    %select_n3A_116 = arith.select %and3A_113, %sub3A_115, %div3A_94 : i32
    %jit3A_117 = arith.constant 8 : i32
    %eq3A_118 = arith.constant 0 : i32
    %eq3A_119 = arith.cmpi eq, %jit3A_117, %eq3A_118 : i32
    %jit3A_120 = arith.constant 1 : i32
    %select_n3A_121 = arith.select %eq3A_119, %jit3A_120, %jit3A_117 : i32
    %rem3A_122 = arith.remsi %select_n3A_74, %select_n3A_121 : i32
    %ne3A_123 = arith.constant 0 : i32
    %ne3A_124 = arith.cmpi ne, %rem3A_122, %ne3A_123 : i32
    %lt3A_125 = arith.constant 0 : i32
    %lt3A_126 = arith.cmpi slt, %rem3A_122, %lt3A_125 : i32
    %lt3A_127 = arith.constant 0 : i32
    %lt3A_128 = arith.cmpi slt, %select_n3A_121, %lt3A_127 : i32
    %ne3A_129 = arith.xori %lt3A_126, %lt3A_128 : i1
    %and3A_130 = arith.andi %ne3A_129, %ne3A_124 : i1
    %add3A_131 = arith.addi %rem3A_122, %select_n3A_121 : i32
    %select_n3A_132 = arith.select %and3A_130, %add3A_131, %rem3A_122 : i32
    %dma_start3A = arith.constant 0 : i32
    %dma_start3A_133 = tpu.memref_slice %arg2[%select_n3A_116, %mul3A_92, %select_n3A_132, %dma_start3A] : memref<25x128x8x128xi32, #tpu.memory_space<hbm>> -> memref<1x4x1x128xi32, #tpu.memory_space<hbm>>
    %dma_start3A_134 = tpu.memref_squeeze %dma_start3A_133 : memref<1x4x1x128xi32, #tpu.memory_space<hbm>> -> memref<4x128xi32, #tpu.memory_space<hbm>>
    %dma_start3A_135 = arith.constant 0 : i32
    %dma_start3A_136 = tpu.memref_slice %arg2[%select_n3A_116, %mul3A_92, %select_n3A_132, %dma_start3A_135] : memref<25x128x8x128xi32, #tpu.memory_space<hbm>> -> memref<1x4x1x128xi32, #tpu.memory_space<hbm>>
    %dma_start3A_137 = tpu.memref_squeeze %dma_start3A_136 : memref<1x4x1x128xi32, #tpu.memory_space<hbm>> -> memref<4x128xi32, #tpu.memory_space<hbm>>
    tpu.enqueue_dma source(%dma_start3A_137 : memref<4x128xi32, #tpu.memory_space<hbm>>) target(%arg5 : memref<4x128xi32, #tpu.memory_space<vmem>>) target_semaphore(%arg11 : memref<!tpu.dma_semaphore, #tpu.memory_space<semaphore_mem>>)
    %scan3A = arith.constant 0 : i32
    %scan3A_138 = arith.constant 0 : i32
    %scan3A_139 = arith.constant 101 : i32
    %scan3A_140 = arith.addi %scan3A_138, %scan3A_139 : i32
    %scan3A_141 = arith.constant 1 : i32
    scf.for %scan3A_350 = %scan3A_138 to %scan3A_140 step %scan3A_141  : i32 {
      %mul3A_351 = arith.constant 2 : i32
      %mul3A_352 = arith.muli %mul3A_351, %scan3A_350 : i32
      %add3A_353 = arith.constant 0 : i32
      %add3A_354 = arith.addi %mul3A_352, %add3A_353 : i32
      %lt3A_355 = arith.constant 200 : i32
      %lt3A_356 = arith.cmpi slt, %add3A_354, %lt3A_355 : i32
      %convert_element_type3A = arith.extui %lt3A_356 : i1 to i32
      %cond3A = arith.constant 0 : i32
      %cond3A_357 = arith.cmpi ne, %convert_element_type3A, %cond3A : i32
      scf.if %cond3A_357 {
        %add3A_395 = arith.addi %mul3A_2, %add3A_354 : i32
        %jit3A_396 = arith.constant 32 : i32
        %div3A_397 = arith.divsi %add3A_395, %jit3A_396 : i32
        %sign3A_398 = arith.constant 0 : i32
        %sign3A_399 = arith.cmpi sgt, %add3A_395, %sign3A_398 : i32
        %sign3A_400 = arith.extui %sign3A_399 : i1 to i32
        %sign3A_401 = arith.constant 0 : i32
        %sign3A_402 = arith.cmpi slt, %add3A_395, %sign3A_401 : i32
        %sign3A_403 = arith.extui %sign3A_402 : i1 to i32
        %sign3A_404 = arith.subi %sign3A_400, %sign3A_403 : i32
        %sign3A_405 = arith.constant 0 : i32
        %sign3A_406 = arith.cmpi sgt, %jit3A_396, %sign3A_405 : i32
        %sign3A_407 = arith.extui %sign3A_406 : i1 to i32
        %sign3A_408 = arith.constant 0 : i32
        %sign3A_409 = arith.cmpi slt, %jit3A_396, %sign3A_408 : i32
        %sign3A_410 = arith.extui %sign3A_409 : i1 to i32
        %sign3A_411 = arith.subi %sign3A_407, %sign3A_410 : i32
        %ne3A_412 = arith.cmpi ne, %sign3A_404, %sign3A_411 : i32
        %rem3A_413 = arith.remsi %add3A_395, %jit3A_396 : i32
        %ne3A_414 = arith.constant 0 : i32
        %ne3A_415 = arith.cmpi ne, %rem3A_413, %ne3A_414 : i32
        %and3A_416 = arith.andi %ne3A_412, %ne3A_415 : i1
        %sub3A_417 = arith.constant 1 : i32
        %sub3A_418 = arith.subi %div3A_397, %sub3A_417 : i32
        %select_n3A_419 = arith.select %and3A_416, %sub3A_418, %div3A_397 : i32
        %jit3A_420 = arith.constant 32 : i32
        %eq3A_421 = arith.constant 0 : i32
        %eq3A_422 = arith.cmpi eq, %jit3A_420, %eq3A_421 : i32
        %jit3A_423 = arith.constant 1 : i32
        %select_n3A_424 = arith.select %eq3A_422, %jit3A_423, %jit3A_420 : i32
        %rem3A_425 = arith.remsi %add3A_395, %select_n3A_424 : i32
        %ne3A_426 = arith.constant 0 : i32
        %ne3A_427 = arith.cmpi ne, %rem3A_425, %ne3A_426 : i32
        %lt3A_428 = arith.constant 0 : i32
        %lt3A_429 = arith.cmpi slt, %rem3A_425, %lt3A_428 : i32
        %lt3A_430 = arith.constant 0 : i32
        %lt3A_431 = arith.cmpi slt, %select_n3A_424, %lt3A_430 : i32
        %ne3A_432 = arith.xori %lt3A_429, %lt3A_431 : i1
        %and3A_433 = arith.andi %ne3A_432, %ne3A_427 : i1
        %add3A_434 = arith.addi %rem3A_425, %select_n3A_424 : i32
        %select_n3A_435 = arith.select %and3A_433, %add3A_434, %rem3A_425 : i32
        %mul3A_436 = arith.constant 4 : i32
        %mul3A_437 = arith.muli %select_n3A_435, %mul3A_436 : i32
        %jit3A_438 = arith.constant 8 : i32
        %div3A_439 = arith.divsi %select_n3A_419, %jit3A_438 : i32
        %sign3A_440 = arith.constant 0 : i32
        %sign3A_441 = arith.cmpi sgt, %select_n3A_419, %sign3A_440 : i32
        %sign3A_442 = arith.extui %sign3A_441 : i1 to i32
        %sign3A_443 = arith.constant 0 : i32
        %sign3A_444 = arith.cmpi slt, %select_n3A_419, %sign3A_443 : i32
        %sign3A_445 = arith.extui %sign3A_444 : i1 to i32
        %sign3A_446 = arith.subi %sign3A_442, %sign3A_445 : i32
        %sign3A_447 = arith.constant 0 : i32
        %sign3A_448 = arith.cmpi sgt, %jit3A_438, %sign3A_447 : i32
        %sign3A_449 = arith.extui %sign3A_448 : i1 to i32
        %sign3A_450 = arith.constant 0 : i32
        %sign3A_451 = arith.cmpi slt, %jit3A_438, %sign3A_450 : i32
        %sign3A_452 = arith.extui %sign3A_451 : i1 to i32
        %sign3A_453 = arith.subi %sign3A_449, %sign3A_452 : i32
        %ne3A_454 = arith.cmpi ne, %sign3A_446, %sign3A_453 : i32
        %rem3A_455 = arith.remsi %select_n3A_419, %jit3A_438 : i32
        %ne3A_456 = arith.constant 0 : i32
        %ne3A_457 = arith.cmpi ne, %rem3A_455, %ne3A_456 : i32
        %and3A_458 = arith.andi %ne3A_454, %ne3A_457 : i1
        %sub3A_459 = arith.constant 1 : i32
        %sub3A_460 = arith.subi %div3A_439, %sub3A_459 : i32
        %select_n3A_461 = arith.select %and3A_458, %sub3A_460, %div3A_439 : i32
        %jit3A_462 = arith.constant 8 : i32
        %eq3A_463 = arith.constant 0 : i32
        %eq3A_464 = arith.cmpi eq, %jit3A_462, %eq3A_463 : i32
        %jit3A_465 = arith.constant 1 : i32
        %select_n3A_466 = arith.select %eq3A_464, %jit3A_465, %jit3A_462 : i32
        %rem3A_467 = arith.remsi %select_n3A_419, %select_n3A_466 : i32
        %ne3A_468 = arith.constant 0 : i32
        %ne3A_469 = arith.cmpi ne, %rem3A_467, %ne3A_468 : i32
        %lt3A_470 = arith.constant 0 : i32
        %lt3A_471 = arith.cmpi slt, %rem3A_467, %lt3A_470 : i32
        %lt3A_472 = arith.constant 0 : i32
        %lt3A_473 = arith.cmpi slt, %select_n3A_466, %lt3A_472 : i32
        %ne3A_474 = arith.xori %lt3A_471, %lt3A_473 : i1
        %and3A_475 = arith.andi %ne3A_474, %ne3A_469 : i1
        %add3A_476 = arith.addi %rem3A_467, %select_n3A_466 : i32
        %select_n3A_477 = arith.select %and3A_475, %add3A_476, %rem3A_467 : i32
        %dma_wait3A_478 = arith.constant 0 : i32
        %dma_wait3A_479 = tpu.memref_slice %arg2[%select_n3A_461, %mul3A_437, %select_n3A_477, %dma_wait3A_478] : memref<25x128x8x128xi32, #tpu.memory_space<hbm>> -> memref<1x4x1x128xi32, #tpu.memory_space<hbm>>
        %dma_wait3A_480 = tpu.memref_squeeze %dma_wait3A_479 : memref<1x4x1x128xi32, #tpu.memory_space<hbm>> -> memref<4x128xi32, #tpu.memory_space<hbm>>
        %dma_wait3A_481 = arith.constant 0 : i32
        %dma_wait3A_482 = tpu.memref_slice %arg2[%select_n3A_461, %mul3A_437, %select_n3A_477, %dma_wait3A_481] : memref<25x128x8x128xi32, #tpu.memory_space<hbm>> -> memref<1x4x1x128xi32, #tpu.memory_space<hbm>>
        %dma_wait3A_483 = tpu.memref_squeeze %dma_wait3A_482 : memref<1x4x1x128xi32, #tpu.memory_space<hbm>> -> memref<4x128xi32, #tpu.memory_space<hbm>>
        tpu.wait_dma2 semaphore(%arg11 : memref<!tpu.dma_semaphore, #tpu.memory_space<semaphore_mem>>) src(%dma_wait3A_483 : memref<4x128xi32, #tpu.memory_space<hbm>>) dst(%arg5 : memref<4x128xi32, #tpu.memory_space<vmem>>)
        %dma_start3A_484 = arith.constant 0 : i32
        %dma_start3A_485 = arith.constant 0 : i32
        %dma_start3A_486 = arith.constant 0 : i32
        %dma_start3A_487 = tpu.memref_slice %arg7[%dma_start3A_485, %dma_start3A_486] : memref<512x32xf32, #tpu.memory_space<vmem>> -> memref<128x32xf32, #tpu.memory_space<vmem>>
        %dma_start3A_488 = arith.constant 0 : i32
        %dma_start3A_489 = tpu.memref_slice %arg5[%dma_start3A_484, %dma_start3A_488] : memref<4x128xi32, #tpu.memory_space<vmem>> -> memref<1x128xi32, #tpu.memory_space<vmem>>
        %dma_start3A_490 = tpu.memref_squeeze %dma_start3A_489 : memref<1x128xi32, #tpu.memory_space<vmem>> -> memref<128xi32, #tpu.memory_space<vmem>>
        %dma_start3A_491 = arith.constant 0 : i32
        %dma_start3A_492 = arith.constant 0 : i32
        %dma_start3A_493 = tpu.memref_slice %arg3[%dma_start3A_491, %dma_start3A_492] : memref<1000000x32xf32, #tpu.memory_space<hbm>> -> memref<1000000x32xf32, #tpu.memory_space<hbm>>
        tpu.enqueue_indirect_dma source(%dma_start3A_493 : memref<1000000x32xf32, #tpu.memory_space<hbm>>) target(%dma_start3A_487 : memref<128x32xf32, #tpu.memory_space<vmem>>) offsets(%dma_start3A_490 : memref<128xi32, #tpu.memory_space<vmem>>) semaphore(%arg13 : memref<!tpu.dma_semaphore, #tpu.memory_space<semaphore_mem>>)
        %dma_start3A_494 = arith.constant 1 : i32
        %dma_start3A_495 = arith.constant 128 : i32
        %dma_start3A_496 = arith.constant 0 : i32
        %dma_start3A_497 = tpu.memref_slice %arg7[%dma_start3A_495, %dma_start3A_496] : memref<512x32xf32, #tpu.memory_space<vmem>> -> memref<128x32xf32, #tpu.memory_space<vmem>>
        %dma_start3A_498 = arith.constant 0 : i32
        %dma_start3A_499 = tpu.memref_slice %arg5[%dma_start3A_494, %dma_start3A_498] : memref<4x128xi32, #tpu.memory_space<vmem>> -> memref<1x128xi32, #tpu.memory_space<vmem>>
        %dma_start3A_500 = tpu.memref_squeeze %dma_start3A_499 : memref<1x128xi32, #tpu.memory_space<vmem>> -> memref<128xi32, #tpu.memory_space<vmem>>
        %dma_start3A_501 = arith.constant 0 : i32
        %dma_start3A_502 = arith.constant 0 : i32
        %dma_start3A_503 = tpu.memref_slice %arg3[%dma_start3A_501, %dma_start3A_502] : memref<1000000x32xf32, #tpu.memory_space<hbm>> -> memref<1000000x32xf32, #tpu.memory_space<hbm>>
        tpu.enqueue_indirect_dma source(%dma_start3A_503 : memref<1000000x32xf32, #tpu.memory_space<hbm>>) target(%dma_start3A_497 : memref<128x32xf32, #tpu.memory_space<vmem>>) offsets(%dma_start3A_500 : memref<128xi32, #tpu.memory_space<vmem>>) semaphore(%arg13 : memref<!tpu.dma_semaphore, #tpu.memory_space<semaphore_mem>>)
        %dma_start3A_504 = arith.constant 2 : i32
        %dma_start3A_505 = arith.constant 256 : i32
        %dma_start3A_506 = arith.constant 0 : i32
        %dma_start3A_507 = tpu.memref_slice %arg7[%dma_start3A_505, %dma_start3A_506] : memref<512x32xf32, #tpu.memory_space<vmem>> -> memref<128x32xf32, #tpu.memory_space<vmem>>
        %dma_start3A_508 = arith.constant 0 : i32
        %dma_start3A_509 = tpu.memref_slice %arg5[%dma_start3A_504, %dma_start3A_508] : memref<4x128xi32, #tpu.memory_space<vmem>> -> memref<1x128xi32, #tpu.memory_space<vmem>>
        %dma_start3A_510 = tpu.memref_squeeze %dma_start3A_509 : memref<1x128xi32, #tpu.memory_space<vmem>> -> memref<128xi32, #tpu.memory_space<vmem>>
        %dma_start3A_511 = arith.constant 0 : i32
        %dma_start3A_512 = arith.constant 0 : i32
        %dma_start3A_513 = tpu.memref_slice %arg3[%dma_start3A_511, %dma_start3A_512] : memref<1000000x32xf32, #tpu.memory_space<hbm>> -> memref<1000000x32xf32, #tpu.memory_space<hbm>>
        tpu.enqueue_indirect_dma source(%dma_start3A_513 : memref<1000000x32xf32, #tpu.memory_space<hbm>>) target(%dma_start3A_507 : memref<128x32xf32, #tpu.memory_space<vmem>>) offsets(%dma_start3A_510 : memref<128xi32, #tpu.memory_space<vmem>>) semaphore(%arg13 : memref<!tpu.dma_semaphore, #tpu.memory_space<semaphore_mem>>)
        %dma_start3A_514 = arith.constant 3 : i32
        %dma_start3A_515 = arith.constant 384 : i32
        %dma_start3A_516 = arith.constant 0 : i32
        %dma_start3A_517 = tpu.memref_slice %arg7[%dma_start3A_515, %dma_start3A_516] : memref<512x32xf32, #tpu.memory_space<vmem>> -> memref<128x32xf32, #tpu.memory_space<vmem>>
        %dma_start3A_518 = arith.constant 0 : i32
        %dma_start3A_519 = tpu.memref_slice %arg5[%dma_start3A_514, %dma_start3A_518] : memref<4x128xi32, #tpu.memory_space<vmem>> -> memref<1x128xi32, #tpu.memory_space<vmem>>
        %dma_start3A_520 = tpu.memref_squeeze %dma_start3A_519 : memref<1x128xi32, #tpu.memory_space<vmem>> -> memref<128xi32, #tpu.memory_space<vmem>>
        %dma_start3A_521 = arith.constant 0 : i32
        %dma_start3A_522 = arith.constant 0 : i32
        %dma_start3A_523 = tpu.memref_slice %arg3[%dma_start3A_521, %dma_start3A_522] : memref<1000000x32xf32, #tpu.memory_space<hbm>> -> memref<1000000x32xf32, #tpu.memory_space<hbm>>
        tpu.enqueue_indirect_dma source(%dma_start3A_523 : memref<1000000x32xf32, #tpu.memory_space<hbm>>) target(%dma_start3A_517 : memref<128x32xf32, #tpu.memory_space<vmem>>) offsets(%dma_start3A_520 : memref<128xi32, #tpu.memory_space<vmem>>) semaphore(%arg13 : memref<!tpu.dma_semaphore, #tpu.memory_space<semaphore_mem>>)
      } else {
      }
      %ge3A = arith.constant 1 : i32
      %ge3A_358 = arith.cmpi sge, %add3A_354, %ge3A : i32
      %le3A = arith.constant 200 : i32
      %le3A_359 = arith.cmpi sle, %add3A_354, %le3A : i32
      %and3A_360 = arith.andi %ge3A_358, %le3A_359 : i1
      %convert_element_type3A_361 = arith.extui %and3A_360 : i1 to i32
      %cond3A_362 = arith.constant 0 : i32
      %cond3A_363 = arith.cmpi ne, %convert_element_type3A_361, %cond3A_362 : i32
      scf.if %cond3A_363 {
        %sub3A_395 = arith.constant 1 : i32
        %sub3A_396 = arith.subi %add3A_354, %sub3A_395 : i32
        %dma_wait3A_397 = arith.constant 0 : i32
        %dma_wait3A_398 = arith.constant 0 : i32
        %dma_wait3A_399 = arith.constant 0 : i32
        %dma_wait3A_400 = tpu.memref_slice %arg8[%dma_wait3A_398, %dma_wait3A_399] : memref<512x32xf32, #tpu.memory_space<vmem>> -> memref<128x32xf32, #tpu.memory_space<vmem>>
        %dma_wait3A_401 = arith.constant 0 : i32
        %dma_wait3A_402 = tpu.memref_slice %arg6[%dma_wait3A_397, %dma_wait3A_401] : memref<4x128xi32, #tpu.memory_space<vmem>> -> memref<1x128xi32, #tpu.memory_space<vmem>>
        %dma_wait3A_403 = tpu.memref_squeeze %dma_wait3A_402 : memref<1x128xi32, #tpu.memory_space<vmem>> -> memref<128xi32, #tpu.memory_space<vmem>>
        %dma_wait3A_404 = arith.constant 0 : i32
        %dma_wait3A_405 = arith.constant 0 : i32
        %dma_wait3A_406 = tpu.memref_slice %arg3[%dma_wait3A_404, %dma_wait3A_405] : memref<1000000x32xf32, #tpu.memory_space<hbm>> -> memref<1000000x32xf32, #tpu.memory_space<hbm>>
        tpu.wait_indirect_dma semaphore(%arg14 : memref<!tpu.dma_semaphore, #tpu.memory_space<semaphore_mem>>) src(%dma_wait3A_406 : memref<1000000x32xf32, #tpu.memory_space<hbm>>) dst(%dma_wait3A_400 : memref<128x32xf32, #tpu.memory_space<vmem>>)
        %sub3A_407 = arith.constant 1 : i32
        %sub3A_408 = arith.subi %add3A_354, %sub3A_407 : i32
        %dma_wait3A_409 = arith.constant 1 : i32
        %dma_wait3A_410 = arith.constant 128 : i32
        %dma_wait3A_411 = arith.constant 0 : i32
        %dma_wait3A_412 = tpu.memref_slice %arg8[%dma_wait3A_410, %dma_wait3A_411] : memref<512x32xf32, #tpu.memory_space<vmem>> -> memref<128x32xf32, #tpu.memory_space<vmem>>
        %dma_wait3A_413 = arith.constant 0 : i32
        %dma_wait3A_414 = tpu.memref_slice %arg6[%dma_wait3A_409, %dma_wait3A_413] : memref<4x128xi32, #tpu.memory_space<vmem>> -> memref<1x128xi32, #tpu.memory_space<vmem>>
        %dma_wait3A_415 = tpu.memref_squeeze %dma_wait3A_414 : memref<1x128xi32, #tpu.memory_space<vmem>> -> memref<128xi32, #tpu.memory_space<vmem>>
        %dma_wait3A_416 = arith.constant 0 : i32
        %dma_wait3A_417 = arith.constant 0 : i32
        %dma_wait3A_418 = tpu.memref_slice %arg3[%dma_wait3A_416, %dma_wait3A_417] : memref<1000000x32xf32, #tpu.memory_space<hbm>> -> memref<1000000x32xf32, #tpu.memory_space<hbm>>
        tpu.wait_indirect_dma semaphore(%arg14 : memref<!tpu.dma_semaphore, #tpu.memory_space<semaphore_mem>>) src(%dma_wait3A_418 : memref<1000000x32xf32, #tpu.memory_space<hbm>>) dst(%dma_wait3A_412 : memref<128x32xf32, #tpu.memory_space<vmem>>)
        %sub3A_419 = arith.constant 1 : i32
        %sub3A_420 = arith.subi %add3A_354, %sub3A_419 : i32
        %dma_wait3A_421 = arith.constant 2 : i32
        %dma_wait3A_422 = arith.constant 256 : i32
        %dma_wait3A_423 = arith.constant 0 : i32
        %dma_wait3A_424 = tpu.memref_slice %arg8[%dma_wait3A_422, %dma_wait3A_423] : memref<512x32xf32, #tpu.memory_space<vmem>> -> memref<128x32xf32, #tpu.memory_space<vmem>>
        %dma_wait3A_425 = arith.constant 0 : i32
        %dma_wait3A_426 = tpu.memref_slice %arg6[%dma_wait3A_421, %dma_wait3A_425] : memref<4x128xi32, #tpu.memory_space<vmem>> -> memref<1x128xi32, #tpu.memory_space<vmem>>
        %dma_wait3A_427 = tpu.memref_squeeze %dma_wait3A_426 : memref<1x128xi32, #tpu.memory_space<vmem>> -> memref<128xi32, #tpu.memory_space<vmem>>
        %dma_wait3A_428 = arith.constant 0 : i32
        %dma_wait3A_429 = arith.constant 0 : i32
        %dma_wait3A_430 = tpu.memref_slice %arg3[%dma_wait3A_428, %dma_wait3A_429] : memref<1000000x32xf32, #tpu.memory_space<hbm>> -> memref<1000000x32xf32, #tpu.memory_space<hbm>>
        tpu.wait_indirect_dma semaphore(%arg14 : memref<!tpu.dma_semaphore, #tpu.memory_space<semaphore_mem>>) src(%dma_wait3A_430 : memref<1000000x32xf32, #tpu.memory_space<hbm>>) dst(%dma_wait3A_424 : memref<128x32xf32, #tpu.memory_space<vmem>>)
        %sub3A_431 = arith.constant 1 : i32
        %sub3A_432 = arith.subi %add3A_354, %sub3A_431 : i32
        %dma_wait3A_433 = arith.constant 3 : i32
        %dma_wait3A_434 = arith.constant 384 : i32
        %dma_wait3A_435 = arith.constant 0 : i32
        %dma_wait3A_436 = tpu.memref_slice %arg8[%dma_wait3A_434, %dma_wait3A_435] : memref<512x32xf32, #tpu.memory_space<vmem>> -> memref<128x32xf32, #tpu.memory_space<vmem>>
        %dma_wait3A_437 = arith.constant 0 : i32
        %dma_wait3A_438 = tpu.memref_slice %arg6[%dma_wait3A_433, %dma_wait3A_437] : memref<4x128xi32, #tpu.memory_space<vmem>> -> memref<1x128xi32, #tpu.memory_space<vmem>>
        %dma_wait3A_439 = tpu.memref_squeeze %dma_wait3A_438 : memref<1x128xi32, #tpu.memory_space<vmem>> -> memref<128xi32, #tpu.memory_space<vmem>>
        %dma_wait3A_440 = arith.constant 0 : i32
        %dma_wait3A_441 = arith.constant 0 : i32
        %dma_wait3A_442 = tpu.memref_slice %arg3[%dma_wait3A_440, %dma_wait3A_441] : memref<1000000x32xf32, #tpu.memory_space<hbm>> -> memref<1000000x32xf32, #tpu.memory_space<hbm>>
        tpu.wait_indirect_dma semaphore(%arg14 : memref<!tpu.dma_semaphore, #tpu.memory_space<semaphore_mem>>) src(%dma_wait3A_442 : memref<1000000x32xf32, #tpu.memory_space<hbm>>) dst(%dma_wait3A_436 : memref<128x32xf32, #tpu.memory_space<vmem>>)
        %ge3A_443 = arith.constant 3 : i32
        %ge3A_444 = arith.cmpi sge, %add3A_354, %ge3A_443 : i32
        %convert_element_type3A_445 = arith.extui %ge3A_444 : i1 to i32
        %cond3A_446 = arith.constant 0 : i32
        %cond3A_447 = arith.cmpi ne, %convert_element_type3A_445, %cond3A_446 : i32
        scf.if %cond3A_447 {
          %sub3A_571 = arith.constant 3 : i32
          %sub3A_572 = arith.subi %add3A_354, %sub3A_571 : i32
          %add3A_573 = arith.addi %mul3A_2, %sub3A_572 : i32
          %jit3A_574 = arith.constant 32 : i32
          %div3A_575 = arith.divsi %add3A_573, %jit3A_574 : i32
          %sign3A_576 = arith.constant 0 : i32
          %sign3A_577 = arith.cmpi sgt, %add3A_573, %sign3A_576 : i32
          %sign3A_578 = arith.extui %sign3A_577 : i1 to i32
          %sign3A_579 = arith.constant 0 : i32
          %sign3A_580 = arith.cmpi slt, %add3A_573, %sign3A_579 : i32
          %sign3A_581 = arith.extui %sign3A_580 : i1 to i32
          %sign3A_582 = arith.subi %sign3A_578, %sign3A_581 : i32
          %sign3A_583 = arith.constant 0 : i32
          %sign3A_584 = arith.cmpi sgt, %jit3A_574, %sign3A_583 : i32
          %sign3A_585 = arith.extui %sign3A_584 : i1 to i32
          %sign3A_586 = arith.constant 0 : i32
          %sign3A_587 = arith.cmpi slt, %jit3A_574, %sign3A_586 : i32
          %sign3A_588 = arith.extui %sign3A_587 : i1 to i32
          %sign3A_589 = arith.subi %sign3A_585, %sign3A_588 : i32
          %ne3A_590 = arith.cmpi ne, %sign3A_582, %sign3A_589 : i32
          %rem3A_591 = arith.remsi %add3A_573, %jit3A_574 : i32
          %ne3A_592 = arith.constant 0 : i32
          %ne3A_593 = arith.cmpi ne, %rem3A_591, %ne3A_592 : i32
          %and3A_594 = arith.andi %ne3A_590, %ne3A_593 : i1
          %sub3A_595 = arith.constant 1 : i32
          %sub3A_596 = arith.subi %div3A_575, %sub3A_595 : i32
          %select_n3A_597 = arith.select %and3A_594, %sub3A_596, %div3A_575 : i32
          %jit3A_598 = arith.constant 32 : i32
          %eq3A_599 = arith.constant 0 : i32
          %eq3A_600 = arith.cmpi eq, %jit3A_598, %eq3A_599 : i32
          %jit3A_601 = arith.constant 1 : i32
          %select_n3A_602 = arith.select %eq3A_600, %jit3A_601, %jit3A_598 : i32
          %rem3A_603 = arith.remsi %add3A_573, %select_n3A_602 : i32
          %ne3A_604 = arith.constant 0 : i32
          %ne3A_605 = arith.cmpi ne, %rem3A_603, %ne3A_604 : i32
          %lt3A_606 = arith.constant 0 : i32
          %lt3A_607 = arith.cmpi slt, %rem3A_603, %lt3A_606 : i32
          %lt3A_608 = arith.constant 0 : i32
          %lt3A_609 = arith.cmpi slt, %select_n3A_602, %lt3A_608 : i32
          %ne3A_610 = arith.xori %lt3A_607, %lt3A_609 : i1
          %and3A_611 = arith.andi %ne3A_610, %ne3A_605 : i1
          %add3A_612 = arith.addi %rem3A_603, %select_n3A_602 : i32
          %select_n3A_613 = arith.select %and3A_611, %add3A_612, %rem3A_603 : i32
          %mul3A_614 = arith.constant 4 : i32
          %mul3A_615 = arith.muli %select_n3A_613, %mul3A_614 : i32
          %jit3A_616 = arith.constant 8 : i32
          %div3A_617 = arith.divsi %select_n3A_597, %jit3A_616 : i32
          %sign3A_618 = arith.constant 0 : i32
          %sign3A_619 = arith.cmpi sgt, %select_n3A_597, %sign3A_618 : i32
          %sign3A_620 = arith.extui %sign3A_619 : i1 to i32
          %sign3A_621 = arith.constant 0 : i32
          %sign3A_622 = arith.cmpi slt, %select_n3A_597, %sign3A_621 : i32
          %sign3A_623 = arith.extui %sign3A_622 : i1 to i32
          %sign3A_624 = arith.subi %sign3A_620, %sign3A_623 : i32
          %sign3A_625 = arith.constant 0 : i32
          %sign3A_626 = arith.cmpi sgt, %jit3A_616, %sign3A_625 : i32
          %sign3A_627 = arith.extui %sign3A_626 : i1 to i32
          %sign3A_628 = arith.constant 0 : i32
          %sign3A_629 = arith.cmpi slt, %jit3A_616, %sign3A_628 : i32
          %sign3A_630 = arith.extui %sign3A_629 : i1 to i32
          %sign3A_631 = arith.subi %sign3A_627, %sign3A_630 : i32
          %ne3A_632 = arith.cmpi ne, %sign3A_624, %sign3A_631 : i32
          %rem3A_633 = arith.remsi %select_n3A_597, %jit3A_616 : i32
          %ne3A_634 = arith.constant 0 : i32
          %ne3A_635 = arith.cmpi ne, %rem3A_633, %ne3A_634 : i32
          %and3A_636 = arith.andi %ne3A_632, %ne3A_635 : i1
          %sub3A_637 = arith.constant 1 : i32
          %sub3A_638 = arith.subi %div3A_617, %sub3A_637 : i32
          %select_n3A_639 = arith.select %and3A_636, %sub3A_638, %div3A_617 : i32
          %jit3A_640 = arith.constant 8 : i32
          %eq3A_641 = arith.constant 0 : i32
          %eq3A_642 = arith.cmpi eq, %jit3A_640, %eq3A_641 : i32
          %jit3A_643 = arith.constant 1 : i32
          %select_n3A_644 = arith.select %eq3A_642, %jit3A_643, %jit3A_640 : i32
          %rem3A_645 = arith.remsi %select_n3A_597, %select_n3A_644 : i32
          %ne3A_646 = arith.constant 0 : i32
          %ne3A_647 = arith.cmpi ne, %rem3A_645, %ne3A_646 : i32
          %lt3A_648 = arith.constant 0 : i32
          %lt3A_649 = arith.cmpi slt, %rem3A_645, %lt3A_648 : i32
          %lt3A_650 = arith.constant 0 : i32
          %lt3A_651 = arith.cmpi slt, %select_n3A_644, %lt3A_650 : i32
          %ne3A_652 = arith.xori %lt3A_649, %lt3A_651 : i1
          %and3A_653 = arith.andi %ne3A_652, %ne3A_647 : i1
          %add3A_654 = arith.addi %rem3A_645, %select_n3A_644 : i32
          %select_n3A_655 = arith.select %and3A_653, %add3A_654, %rem3A_645 : i32
          %dma_wait3A_656 = arith.constant 0 : i32
          %dma_wait3A_657 = arith.constant 0 : i32
          %dma_wait3A_658 = arith.constant 0 : i32
          %dma_wait3A_659 = arith.constant 0 : i32
          %dma_wait3A_660 = tpu.memref_slice %arg10[%dma_wait3A_656, %dma_wait3A_657, %dma_wait3A_658, %dma_wait3A_659] : memref<4x4x8x129xf32, #tpu.memory_space<vmem>> -> memref<4x4x8x128xf32, #tpu.memory_space<vmem>>
          %dma_wait3A_661 = arith.constant 0 : i32
          %dma_wait3A_662 = arith.constant 0 : i32
          %dma_wait3A_663 = arith.constant 0 : i32
          %dma_wait3A_664 = tpu.memref_slice %arg4[%select_n3A_597, %dma_wait3A_661, %mul3A_615, %dma_wait3A_662, %dma_wait3A_663] : memref<200x4x128x8x128xf32, #tpu.memory_space<hbm>> -> memref<1x4x4x8x128xf32, #tpu.memory_space<hbm>>
          %dma_wait3A_665 = tpu.memref_squeeze %dma_wait3A_664 : memref<1x4x4x8x128xf32, #tpu.memory_space<hbm>> -> memref<4x4x8x128xf32, #tpu.memory_space<hbm>>
          %dma_wait3A_666 = arith.constant 0 : i32
          %dma_wait3A_667 = arith.constant 0 : i32
          %dma_wait3A_668 = arith.constant 0 : i32
          %dma_wait3A_669 = tpu.memref_slice %arg4[%select_n3A_597, %dma_wait3A_666, %mul3A_615, %dma_wait3A_667, %dma_wait3A_668] : memref<200x4x128x8x128xf32, #tpu.memory_space<hbm>> -> memref<1x4x4x8x128xf32, #tpu.memory_space<hbm>>
          %dma_wait3A_670 = tpu.memref_squeeze %dma_wait3A_669 : memref<1x4x4x8x128xf32, #tpu.memory_space<hbm>> -> memref<4x4x8x128xf32, #tpu.memory_space<hbm>>
          %dma_wait3A_671 = arith.constant 0 : i32
          %dma_wait3A_672 = arith.constant 0 : i32
          %dma_wait3A_673 = arith.constant 0 : i32
          %dma_wait3A_674 = arith.constant 0 : i32
          %dma_wait3A_675 = tpu.memref_slice %arg10[%dma_wait3A_671, %dma_wait3A_672, %dma_wait3A_673, %dma_wait3A_674] : memref<4x4x8x129xf32, #tpu.memory_space<vmem>> -> memref<4x4x8x128xf32, #tpu.memory_space<vmem>>
          tpu.wait_dma2 semaphore(%arg16 : memref<!tpu.dma_semaphore, #tpu.memory_space<semaphore_mem>>) src(%dma_wait3A_675 : memref<4x4x8x128xf32, #tpu.memory_space<vmem>>) dst(%dma_wait3A_670 : memref<4x4x8x128xf32, #tpu.memory_space<hbm>>)
        } else {
        }
        %broadcast_in_dim3A = arith.constant 0 : i32
        %broadcast_in_dim3A_448 = vector.broadcast %broadcast_in_dim3A : i32 to vector<16xi32>
        %parallel_loop3A = arith.constant 0 : i32
        %parallel_loop3A_449 = arith.constant 128 : i32
        %parallel_loop3A_450 = arith.constant 1 : i32
        scf.for %parallel_loop3A_571 = %parallel_loop3A to %parallel_loop3A_449 step %parallel_loop3A_450  : i32 {
          %parallel_loop3A_572 = arith.constant 0 : i32
          %parallel_loop3A_573 = arith.addi %parallel_loop3A_572, %parallel_loop3A_571 : i32
          %parallel_loop3A_574 = vector.broadcast %parallel_loop3A_571 : i32 to vector<16xi32>
          %parallel_loop3A_575 = arith.index_cast %parallel_loop3A_573 : i32 to index
          %parallel_loop3A_576 = arith.constant 0 : index
          %parallel_loop3A_577 = tpu.vector_load %arg8[%parallel_loop3A_575, %parallel_loop3A_576] {strides = array<i32>} : memref<512x32xf32, #tpu.memory_space<vmem>>, vector<16xf32>,
          %parallel_loop3A_578 = arith.index_cast %parallel_loop3A_573 : i32 to index
          %parallel_loop3A_579 = arith.constant 16 : index
          %parallel_loop3A_580 = tpu.vector_load %arg8[%parallel_loop3A_578, %parallel_loop3A_579] {strides = array<i32>} : memref<512x32xf32, #tpu.memory_space<vmem>>, vector<16xf32>,
          tpu.vector_store_idx %arg10[%select_n3A, %broadcast_in_dim3A_448, %select_n3A_45, %parallel_loop3A_574], %parallel_loop3A_577 : memref<4x4x8x129xf32, #tpu.memory_space<vmem>>[vector<16xi32>, vector<16xi32>, vector<16xi32>, vector<16xi32>], vector<16xf32>,
          tpu.vector_store_idx %arg10[%add3A_48, %broadcast_in_dim3A_448, %select_n3A_45, %parallel_loop3A_574], %parallel_loop3A_580 : memref<4x4x8x129xf32, #tpu.memory_space<vmem>>[vector<16xi32>, vector<16xi32>, vector<16xi32>, vector<16xi32>], vector<16xf32>,
        } {sc.loop_unroll_factor = 4 : i64, sc.parallel_access}
        %broadcast_in_dim3A_451 = arith.constant 1 : i32
        %broadcast_in_dim3A_452 = vector.broadcast %broadcast_in_dim3A_451 : i32 to vector<16xi32>
        %parallel_loop3A_453 = arith.constant 0 : i32
        %parallel_loop3A_454 = arith.constant 128 : i32
        %parallel_loop3A_455 = arith.constant 1 : i32
        scf.for %parallel_loop3A_571 = %parallel_loop3A_453 to %parallel_loop3A_454 step %parallel_loop3A_455  : i32 {
          %parallel_loop3A_572 = arith.constant 128 : i32
          %parallel_loop3A_573 = arith.addi %parallel_loop3A_572, %parallel_loop3A_571 : i32
          %parallel_loop3A_574 = vector.broadcast %parallel_loop3A_571 : i32 to vector<16xi32>
          %parallel_loop3A_575 = arith.index_cast %parallel_loop3A_573 : i32 to index
          %parallel_loop3A_576 = arith.constant 0 : index
          %parallel_loop3A_577 = tpu.vector_load %arg8[%parallel_loop3A_575, %parallel_loop3A_576] {strides = array<i32>} : memref<512x32xf32, #tpu.memory_space<vmem>>, vector<16xf32>,
          %parallel_loop3A_578 = arith.index_cast %parallel_loop3A_573 : i32 to index
          %parallel_loop3A_579 = arith.constant 16 : index
          %parallel_loop3A_580 = tpu.vector_load %arg8[%parallel_loop3A_578, %parallel_loop3A_579] {strides = array<i32>} : memref<512x32xf32, #tpu.memory_space<vmem>>, vector<16xf32>,
          tpu.vector_store_idx %arg10[%select_n3A, %broadcast_in_dim3A_452, %select_n3A_45, %parallel_loop3A_574], %parallel_loop3A_577 : memref<4x4x8x129xf32, #tpu.memory_space<vmem>>[vector<16xi32>, vector<16xi32>, vector<16xi32>, vector<16xi32>], vector<16xf32>,
          tpu.vector_store_idx %arg10[%add3A_48, %broadcast_in_dim3A_452, %select_n3A_45, %parallel_loop3A_574], %parallel_loop3A_580 : memref<4x4x8x129xf32, #tpu.memory_space<vmem>>[vector<16xi32>, vector<16xi32>, vector<16xi32>, vector<16xi32>], vector<16xf32>,
        } {sc.loop_unroll_factor = 4 : i64, sc.parallel_access}
        %broadcast_in_dim3A_456 = arith.constant 2 : i32
        %broadcast_in_dim3A_457 = vector.broadcast %broadcast_in_dim3A_456 : i32 to vector<16xi32>
        %parallel_loop3A_458 = arith.constant 0 : i32
        %parallel_loop3A_459 = arith.constant 128 : i32
        %parallel_loop3A_460 = arith.constant 1 : i32
        scf.for %parallel_loop3A_571 = %parallel_loop3A_458 to %parallel_loop3A_459 step %parallel_loop3A_460  : i32 {
          %parallel_loop3A_572 = arith.constant 256 : i32
          %parallel_loop3A_573 = arith.addi %parallel_loop3A_572, %parallel_loop3A_571 : i32
          %parallel_loop3A_574 = vector.broadcast %parallel_loop3A_571 : i32 to vector<16xi32>
          %parallel_loop3A_575 = arith.index_cast %parallel_loop3A_573 : i32 to index
          %parallel_loop3A_576 = arith.constant 0 : index
          %parallel_loop3A_577 = tpu.vector_load %arg8[%parallel_loop3A_575, %parallel_loop3A_576] {strides = array<i32>} : memref<512x32xf32, #tpu.memory_space<vmem>>, vector<16xf32>,
          %parallel_loop3A_578 = arith.index_cast %parallel_loop3A_573 : i32 to index
          %parallel_loop3A_579 = arith.constant 16 : index
          %parallel_loop3A_580 = tpu.vector_load %arg8[%parallel_loop3A_578, %parallel_loop3A_579] {strides = array<i32>} : memref<512x32xf32, #tpu.memory_space<vmem>>, vector<16xf32>,
          tpu.vector_store_idx %arg10[%select_n3A, %broadcast_in_dim3A_457, %select_n3A_45, %parallel_loop3A_574], %parallel_loop3A_577 : memref<4x4x8x129xf32, #tpu.memory_space<vmem>>[vector<16xi32>, vector<16xi32>, vector<16xi32>, vector<16xi32>], vector<16xf32>,
          tpu.vector_store_idx %arg10[%add3A_48, %broadcast_in_dim3A_457, %select_n3A_45, %parallel_loop3A_574], %parallel_loop3A_580 : memref<4x4x8x129xf32, #tpu.memory_space<vmem>>[vector<16xi32>, vector<16xi32>, vector<16xi32>, vector<16xi32>], vector<16xf32>,
        } {sc.loop_unroll_factor = 4 : i64, sc.parallel_access}
        %broadcast_in_dim3A_461 = arith.constant 3 : i32
        %broadcast_in_dim3A_462 = vector.broadcast %broadcast_in_dim3A_461 : i32 to vector<16xi32>
        %parallel_loop3A_463 = arith.constant 0 : i32
        %parallel_loop3A_464 = arith.constant 128 : i32
        %parallel_loop3A_465 = arith.constant 1 : i32
        scf.for %parallel_loop3A_571 = %parallel_loop3A_463 to %parallel_loop3A_464 step %parallel_loop3A_465  : i32 {
          %parallel_loop3A_572 = arith.constant 384 : i32
          %parallel_loop3A_573 = arith.addi %parallel_loop3A_572, %parallel_loop3A_571 : i32
          %parallel_loop3A_574 = vector.broadcast %parallel_loop3A_571 : i32 to vector<16xi32>
          %parallel_loop3A_575 = arith.index_cast %parallel_loop3A_573 : i32 to index
          %parallel_loop3A_576 = arith.constant 0 : index
          %parallel_loop3A_577 = tpu.vector_load %arg8[%parallel_loop3A_575, %parallel_loop3A_576] {strides = array<i32>} : memref<512x32xf32, #tpu.memory_space<vmem>>, vector<16xf32>,
          %parallel_loop3A_578 = arith.index_cast %parallel_loop3A_573 : i32 to index
          %parallel_loop3A_579 = arith.constant 16 : index
          %parallel_loop3A_580 = tpu.vector_load %arg8[%parallel_loop3A_578, %parallel_loop3A_579] {strides = array<i32>} : memref<512x32xf32, #tpu.memory_space<vmem>>, vector<16xf32>,
          tpu.vector_store_idx %arg10[%select_n3A, %broadcast_in_dim3A_462, %select_n3A_45, %parallel_loop3A_574], %parallel_loop3A_577 : memref<4x4x8x129xf32, #tpu.memory_space<vmem>>[vector<16xi32>, vector<16xi32>, vector<16xi32>, vector<16xi32>], vector<16xf32>,
          tpu.vector_store_idx %arg10[%add3A_48, %broadcast_in_dim3A_462, %select_n3A_45, %parallel_loop3A_574], %parallel_loop3A_580 : memref<4x4x8x129xf32, #tpu.memory_space<vmem>>[vector<16xi32>, vector<16xi32>, vector<16xi32>, vector<16xi32>], vector<16xf32>,
        } {sc.loop_unroll_factor = 4 : i64, sc.parallel_access}
        %sub3A_466 = arith.constant 1 : i32
        %sub3A_467 = arith.subi %add3A_354, %sub3A_466 : i32
        %add3A_468 = arith.addi %mul3A_2, %sub3A_467 : i32
        %jit3A_469 = arith.constant 32 : i32
        %div3A_470 = arith.divsi %add3A_468, %jit3A_469 : i32
        %sign3A_471 = arith.constant 0 : i32
        %sign3A_472 = arith.cmpi sgt, %add3A_468, %sign3A_471 : i32
        %sign3A_473 = arith.extui %sign3A_472 : i1 to i32
        %sign3A_474 = arith.constant 0 : i32
        %sign3A_475 = arith.cmpi slt, %add3A_468, %sign3A_474 : i32
        %sign3A_476 = arith.extui %sign3A_475 : i1 to i32
        %sign3A_477 = arith.subi %sign3A_473, %sign3A_476 : i32
        %sign3A_478 = arith.constant 0 : i32
        %sign3A_479 = arith.cmpi sgt, %jit3A_469, %sign3A_478 : i32
        %sign3A_480 = arith.extui %sign3A_479 : i1 to i32
        %sign3A_481 = arith.constant 0 : i32
        %sign3A_482 = arith.cmpi slt, %jit3A_469, %sign3A_481 : i32
        %sign3A_483 = arith.extui %sign3A_482 : i1 to i32
        %sign3A_484 = arith.subi %sign3A_480, %sign3A_483 : i32
        %ne3A_485 = arith.cmpi ne, %sign3A_477, %sign3A_484 : i32
        %rem3A_486 = arith.remsi %add3A_468, %jit3A_469 : i32
        %ne3A_487 = arith.constant 0 : i32
        %ne3A_488 = arith.cmpi ne, %rem3A_486, %ne3A_487 : i32
        %and3A_489 = arith.andi %ne3A_485, %ne3A_488 : i1
        %sub3A_490 = arith.constant 1 : i32
        %sub3A_491 = arith.subi %div3A_470, %sub3A_490 : i32
        %select_n3A_492 = arith.select %and3A_489, %sub3A_491, %div3A_470 : i32
        %jit3A_493 = arith.constant 32 : i32
        %eq3A_494 = arith.constant 0 : i32
        %eq3A_495 = arith.cmpi eq, %jit3A_493, %eq3A_494 : i32
        %jit3A_496 = arith.constant 1 : i32
        %select_n3A_497 = arith.select %eq3A_495, %jit3A_496, %jit3A_493 : i32
        %rem3A_498 = arith.remsi %add3A_468, %select_n3A_497 : i32
        %ne3A_499 = arith.constant 0 : i32
        %ne3A_500 = arith.cmpi ne, %rem3A_498, %ne3A_499 : i32
        %lt3A_501 = arith.constant 0 : i32
        %lt3A_502 = arith.cmpi slt, %rem3A_498, %lt3A_501 : i32
        %lt3A_503 = arith.constant 0 : i32
        %lt3A_504 = arith.cmpi slt, %select_n3A_497, %lt3A_503 : i32
        %ne3A_505 = arith.xori %lt3A_502, %lt3A_504 : i1
        %and3A_506 = arith.andi %ne3A_505, %ne3A_500 : i1
        %add3A_507 = arith.addi %rem3A_498, %select_n3A_497 : i32
        %select_n3A_508 = arith.select %and3A_506, %add3A_507, %rem3A_498 : i32
        %mul3A_509 = arith.constant 4 : i32
        %mul3A_510 = arith.muli %select_n3A_508, %mul3A_509 : i32
        %jit3A_511 = arith.constant 8 : i32
        %div3A_512 = arith.divsi %select_n3A_492, %jit3A_511 : i32
        %sign3A_513 = arith.constant 0 : i32
        %sign3A_514 = arith.cmpi sgt, %select_n3A_492, %sign3A_513 : i32
        %sign3A_515 = arith.extui %sign3A_514 : i1 to i32
        %sign3A_516 = arith.constant 0 : i32
        %sign3A_517 = arith.cmpi slt, %select_n3A_492, %sign3A_516 : i32
        %sign3A_518 = arith.extui %sign3A_517 : i1 to i32
        %sign3A_519 = arith.subi %sign3A_515, %sign3A_518 : i32
        %sign3A_520 = arith.constant 0 : i32
        %sign3A_521 = arith.cmpi sgt, %jit3A_511, %sign3A_520 : i32
        %sign3A_522 = arith.extui %sign3A_521 : i1 to i32
        %sign3A_523 = arith.constant 0 : i32
        %sign3A_524 = arith.cmpi slt, %jit3A_511, %sign3A_523 : i32
        %sign3A_525 = arith.extui %sign3A_524 : i1 to i32
        %sign3A_526 = arith.subi %sign3A_522, %sign3A_525 : i32
        %ne3A_527 = arith.cmpi ne, %sign3A_519, %sign3A_526 : i32
        %rem3A_528 = arith.remsi %select_n3A_492, %jit3A_511 : i32
        %ne3A_529 = arith.constant 0 : i32
        %ne3A_530 = arith.cmpi ne, %rem3A_528, %ne3A_529 : i32
        %and3A_531 = arith.andi %ne3A_527, %ne3A_530 : i1
        %sub3A_532 = arith.constant 1 : i32
        %sub3A_533 = arith.subi %div3A_512, %sub3A_532 : i32
        %select_n3A_534 = arith.select %and3A_531, %sub3A_533, %div3A_512 : i32
        %jit3A_535 = arith.constant 8 : i32
        %eq3A_536 = arith.constant 0 : i32
        %eq3A_537 = arith.cmpi eq, %jit3A_535, %eq3A_536 : i32
        %jit3A_538 = arith.constant 1 : i32
        %select_n3A_539 = arith.select %eq3A_537, %jit3A_538, %jit3A_535 : i32
        %rem3A_540 = arith.remsi %select_n3A_492, %select_n3A_539 : i32
        %ne3A_541 = arith.constant 0 : i32
        %ne3A_542 = arith.cmpi ne, %rem3A_540, %ne3A_541 : i32
        %lt3A_543 = arith.constant 0 : i32
        %lt3A_544 = arith.cmpi slt, %rem3A_540, %lt3A_543 : i32
        %lt3A_545 = arith.constant 0 : i32
        %lt3A_546 = arith.cmpi slt, %select_n3A_539, %lt3A_545 : i32
        %ne3A_547 = arith.xori %lt3A_544, %lt3A_546 : i1
        %and3A_548 = arith.andi %ne3A_547, %ne3A_542 : i1
        %add3A_549 = arith.addi %rem3A_540, %select_n3A_539 : i32
        %select_n3A_550 = arith.select %and3A_548, %add3A_549, %rem3A_540 : i32
        %dma_start3A_551 = arith.constant 0 : i32
        %dma_start3A_552 = arith.constant 0 : i32
        %dma_start3A_553 = arith.constant 0 : i32
        %dma_start3A_554 = arith.constant 0 : i32
        %dma_start3A_555 = tpu.memref_slice %arg10[%dma_start3A_551, %dma_start3A_552, %dma_start3A_553, %dma_start3A_554] : memref<4x4x8x129xf32, #tpu.memory_space<vmem>> -> memref<4x4x8x128xf32, #tpu.memory_space<vmem>>
        %dma_start3A_556 = arith.constant 0 : i32
        %dma_start3A_557 = arith.constant 0 : i32
        %dma_start3A_558 = arith.constant 0 : i32
        %dma_start3A_559 = tpu.memref_slice %arg4[%select_n3A_492, %dma_start3A_556, %mul3A_510, %dma_start3A_557, %dma_start3A_558] : memref<200x4x128x8x128xf32, #tpu.memory_space<hbm>> -> memref<1x4x4x8x128xf32, #tpu.memory_space<hbm>>
        %dma_start3A_560 = tpu.memref_squeeze %dma_start3A_559 : memref<1x4x4x8x128xf32, #tpu.memory_space<hbm>> -> memref<4x4x8x128xf32, #tpu.memory_space<hbm>>
        %dma_start3A_561 = arith.constant 0 : i32
        %dma_start3A_562 = arith.constant 0 : i32
        %dma_start3A_563 = arith.constant 0 : i32
        %dma_start3A_564 = tpu.memref_slice %arg4[%select_n3A_492, %dma_start3A_561, %mul3A_510, %dma_start3A_562, %dma_start3A_563] : memref<200x4x128x8x128xf32, #tpu.memory_space<hbm>> -> memref<1x4x4x8x128xf32, #tpu.memory_space<hbm>>
        %dma_start3A_565 = tpu.memref_squeeze %dma_start3A_564 : memref<1x4x4x8x128xf32, #tpu.memory_space<hbm>> -> memref<4x4x8x128xf32, #tpu.memory_space<hbm>>
        %dma_start3A_566 = arith.constant 0 : i32
        %dma_start3A_567 = arith.constant 0 : i32
        %dma_start3A_568 = arith.constant 0 : i32
        %dma_start3A_569 = arith.constant 0 : i32
        %dma_start3A_570 = tpu.memref_slice %arg10[%dma_start3A_566, %dma_start3A_567, %dma_start3A_568, %dma_start3A_569] : memref<4x4x8x129xf32, #tpu.memory_space<vmem>> -> memref<4x4x8x128xf32, #tpu.memory_space<vmem>>
        tpu.enqueue_dma source(%dma_start3A_570 : memref<4x4x8x128xf32, #tpu.memory_space<vmem>>) target(%dma_start3A_565 : memref<4x4x8x128xf32, #tpu.memory_space<hbm>>) target_semaphore(%arg16 : memref<!tpu.dma_semaphore, #tpu.memory_space<semaphore_mem>>)
      } else {
      }
      %add3A_364 = arith.constant 1 : i32
      %add3A_365 = arith.addi %add3A_354, %add3A_364 : i32
      %lt3A_366 = arith.constant 200 : i32
      %lt3A_367 = arith.cmpi slt, %add3A_365, %lt3A_366 : i32
      %convert_element_type3A_368 = arith.extui %lt3A_367 : i1 to i32
      %cond3A_369 = arith.constant 0 : i32
      %cond3A_370 = arith.cmpi ne, %convert_element_type3A_368, %cond3A_369 : i32
      scf.if %cond3A_370 {
        %add3A_395 = arith.constant 1 : i32
        %add3A_396 = arith.addi %add3A_354, %add3A_395 : i32
        %add3A_397 = arith.addi %mul3A_2, %add3A_396 : i32
        %jit3A_398 = arith.constant 32 : i32
        %div3A_399 = arith.divsi %add3A_397, %jit3A_398 : i32
        %sign3A_400 = arith.constant 0 : i32
        %sign3A_401 = arith.cmpi sgt, %add3A_397, %sign3A_400 : i32
        %sign3A_402 = arith.extui %sign3A_401 : i1 to i32
        %sign3A_403 = arith.constant 0 : i32
        %sign3A_404 = arith.cmpi slt, %add3A_397, %sign3A_403 : i32
        %sign3A_405 = arith.extui %sign3A_404 : i1 to i32
        %sign3A_406 = arith.subi %sign3A_402, %sign3A_405 : i32
        %sign3A_407 = arith.constant 0 : i32
        %sign3A_408 = arith.cmpi sgt, %jit3A_398, %sign3A_407 : i32
        %sign3A_409 = arith.extui %sign3A_408 : i1 to i32
        %sign3A_410 = arith.constant 0 : i32
        %sign3A_411 = arith.cmpi slt, %jit3A_398, %sign3A_410 : i32
        %sign3A_412 = arith.extui %sign3A_411 : i1 to i32
        %sign3A_413 = arith.subi %sign3A_409, %sign3A_412 : i32
        %ne3A_414 = arith.cmpi ne, %sign3A_406, %sign3A_413 : i32
        %rem3A_415 = arith.remsi %add3A_397, %jit3A_398 : i32
        %ne3A_416 = arith.constant 0 : i32
        %ne3A_417 = arith.cmpi ne, %rem3A_415, %ne3A_416 : i32
        %and3A_418 = arith.andi %ne3A_414, %ne3A_417 : i1
        %sub3A_419 = arith.constant 1 : i32
        %sub3A_420 = arith.subi %div3A_399, %sub3A_419 : i32
        %select_n3A_421 = arith.select %and3A_418, %sub3A_420, %div3A_399 : i32
        %jit3A_422 = arith.constant 32 : i32
        %eq3A_423 = arith.constant 0 : i32
        %eq3A_424 = arith.cmpi eq, %jit3A_422, %eq3A_423 : i32
        %jit3A_425 = arith.constant 1 : i32
        %select_n3A_426 = arith.select %eq3A_424, %jit3A_425, %jit3A_422 : i32
        %rem3A_427 = arith.remsi %add3A_397, %select_n3A_426 : i32
        %ne3A_428 = arith.constant 0 : i32
        %ne3A_429 = arith.cmpi ne, %rem3A_427, %ne3A_428 : i32
        %lt3A_430 = arith.constant 0 : i32
        %lt3A_431 = arith.cmpi slt, %rem3A_427, %lt3A_430 : i32
        %lt3A_432 = arith.constant 0 : i32
        %lt3A_433 = arith.cmpi slt, %select_n3A_426, %lt3A_432 : i32
        %ne3A_434 = arith.xori %lt3A_431, %lt3A_433 : i1
        %and3A_435 = arith.andi %ne3A_434, %ne3A_429 : i1
        %add3A_436 = arith.addi %rem3A_427, %select_n3A_426 : i32
        %select_n3A_437 = arith.select %and3A_435, %add3A_436, %rem3A_427 : i32
        %mul3A_438 = arith.constant 4 : i32
        %mul3A_439 = arith.muli %select_n3A_437, %mul3A_438 : i32
        %jit3A_440 = arith.constant 8 : i32
        %div3A_441 = arith.divsi %select_n3A_421, %jit3A_440 : i32
        %sign3A_442 = arith.constant 0 : i32
        %sign3A_443 = arith.cmpi sgt, %select_n3A_421, %sign3A_442 : i32
        %sign3A_444 = arith.extui %sign3A_443 : i1 to i32
        %sign3A_445 = arith.constant 0 : i32
        %sign3A_446 = arith.cmpi slt, %select_n3A_421, %sign3A_445 : i32
        %sign3A_447 = arith.extui %sign3A_446 : i1 to i32
        %sign3A_448 = arith.subi %sign3A_444, %sign3A_447 : i32
        %sign3A_449 = arith.constant 0 : i32
        %sign3A_450 = arith.cmpi sgt, %jit3A_440, %sign3A_449 : i32
        %sign3A_451 = arith.extui %sign3A_450 : i1 to i32
        %sign3A_452 = arith.constant 0 : i32
        %sign3A_453 = arith.cmpi slt, %jit3A_440, %sign3A_452 : i32
        %sign3A_454 = arith.extui %sign3A_453 : i1 to i32
        %sign3A_455 = arith.subi %sign3A_451, %sign3A_454 : i32
        %ne3A_456 = arith.cmpi ne, %sign3A_448, %sign3A_455 : i32
        %rem3A_457 = arith.remsi %select_n3A_421, %jit3A_440 : i32
        %ne3A_458 = arith.constant 0 : i32
        %ne3A_459 = arith.cmpi ne, %rem3A_457, %ne3A_458 : i32
        %and3A_460 = arith.andi %ne3A_456, %ne3A_459 : i1
        %sub3A_461 = arith.constant 1 : i32
        %sub3A_462 = arith.subi %div3A_441, %sub3A_461 : i32
        %select_n3A_463 = arith.select %and3A_460, %sub3A_462, %div3A_441 : i32
        %jit3A_464 = arith.constant 8 : i32
        %eq3A_465 = arith.constant 0 : i32
        %eq3A_466 = arith.cmpi eq, %jit3A_464, %eq3A_465 : i32
        %jit3A_467 = arith.constant 1 : i32
        %select_n3A_468 = arith.select %eq3A_466, %jit3A_467, %jit3A_464 : i32
        %rem3A_469 = arith.remsi %select_n3A_421, %select_n3A_468 : i32
        %ne3A_470 = arith.constant 0 : i32
        %ne3A_471 = arith.cmpi ne, %rem3A_469, %ne3A_470 : i32
        %lt3A_472 = arith.constant 0 : i32
        %lt3A_473 = arith.cmpi slt, %rem3A_469, %lt3A_472 : i32
        %lt3A_474 = arith.constant 0 : i32
        %lt3A_475 = arith.cmpi slt, %select_n3A_468, %lt3A_474 : i32
        %ne3A_476 = arith.xori %lt3A_473, %lt3A_475 : i1
        %and3A_477 = arith.andi %ne3A_476, %ne3A_471 : i1
        %add3A_478 = arith.addi %rem3A_469, %select_n3A_468 : i32
        %select_n3A_479 = arith.select %and3A_477, %add3A_478, %rem3A_469 : i32
        %dma_start3A_480 = arith.constant 0 : i32
        %dma_start3A_481 = tpu.memref_slice %arg2[%select_n3A_463, %mul3A_439, %select_n3A_479, %dma_start3A_480] : memref<25x128x8x128xi32, #tpu.memory_space<hbm>> -> memref<1x4x1x128xi32, #tpu.memory_space<hbm>>
        %dma_start3A_482 = tpu.memref_squeeze %dma_start3A_481 : memref<1x4x1x128xi32, #tpu.memory_space<hbm>> -> memref<4x128xi32, #tpu.memory_space<hbm>>
        %dma_start3A_483 = arith.constant 0 : i32
        %dma_start3A_484 = tpu.memref_slice %arg2[%select_n3A_463, %mul3A_439, %select_n3A_479, %dma_start3A_483] : memref<25x128x8x128xi32, #tpu.memory_space<hbm>> -> memref<1x4x1x128xi32, #tpu.memory_space<hbm>>
        %dma_start3A_485 = tpu.memref_squeeze %dma_start3A_484 : memref<1x4x1x128xi32, #tpu.memory_space<hbm>> -> memref<4x128xi32, #tpu.memory_space<hbm>>
        tpu.enqueue_dma source(%dma_start3A_485 : memref<4x128xi32, #tpu.memory_space<hbm>>) target(%arg6 : memref<4x128xi32, #tpu.memory_space<vmem>>) target_semaphore(%arg12 : memref<!tpu.dma_semaphore, #tpu.memory_space<semaphore_mem>>)
      } else {
      }
      %mul3A_371 = arith.constant 2 : i32
      %mul3A_372 = arith.muli %mul3A_371, %scan3A_350 : i32
      %add3A_373 = arith.constant 1 : i32
      %add3A_374 = arith.addi %mul3A_372, %add3A_373 : i32
      %lt3A_375 = arith.constant 200 : i32
      %lt3A_376 = arith.cmpi slt, %add3A_374, %lt3A_375 : i32
      %convert_element_type3A_377 = arith.extui %lt3A_376 : i1 to i32
      %cond3A_378 = arith.constant 0 : i32
      %cond3A_379 = arith.cmpi ne, %convert_element_type3A_377, %cond3A_378 : i32
      scf.if %cond3A_379 {
        %add3A_395 = arith.addi %mul3A_2, %add3A_374 : i32
        %jit3A_396 = arith.constant 32 : i32
        %div3A_397 = arith.divsi %add3A_395, %jit3A_396 : i32
        %sign3A_398 = arith.constant 0 : i32
        %sign3A_399 = arith.cmpi sgt, %add3A_395, %sign3A_398 : i32
        %sign3A_400 = arith.extui %sign3A_399 : i1 to i32
        %sign3A_401 = arith.constant 0 : i32
        %sign3A_402 = arith.cmpi slt, %add3A_395, %sign3A_401 : i32
        %sign3A_403 = arith.extui %sign3A_402 : i1 to i32
        %sign3A_404 = arith.subi %sign3A_400, %sign3A_403 : i32
        %sign3A_405 = arith.constant 0 : i32
        %sign3A_406 = arith.cmpi sgt, %jit3A_396, %sign3A_405 : i32
        %sign3A_407 = arith.extui %sign3A_406 : i1 to i32
        %sign3A_408 = arith.constant 0 : i32
        %sign3A_409 = arith.cmpi slt, %jit3A_396, %sign3A_408 : i32
        %sign3A_410 = arith.extui %sign3A_409 : i1 to i32
        %sign3A_411 = arith.subi %sign3A_407, %sign3A_410 : i32
        %ne3A_412 = arith.cmpi ne, %sign3A_404, %sign3A_411 : i32
        %rem3A_413 = arith.remsi %add3A_395, %jit3A_396 : i32
        %ne3A_414 = arith.constant 0 : i32
        %ne3A_415 = arith.cmpi ne, %rem3A_413, %ne3A_414 : i32
        %and3A_416 = arith.andi %ne3A_412, %ne3A_415 : i1
        %sub3A_417 = arith.constant 1 : i32
        %sub3A_418 = arith.subi %div3A_397, %sub3A_417 : i32
        %select_n3A_419 = arith.select %and3A_416, %sub3A_418, %div3A_397 : i32
        %jit3A_420 = arith.constant 32 : i32
        %eq3A_421 = arith.constant 0 : i32
        %eq3A_422 = arith.cmpi eq, %jit3A_420, %eq3A_421 : i32
        %jit3A_423 = arith.constant 1 : i32
        %select_n3A_424 = arith.select %eq3A_422, %jit3A_423, %jit3A_420 : i32
        %rem3A_425 = arith.remsi %add3A_395, %select_n3A_424 : i32
        %ne3A_426 = arith.constant 0 : i32
        %ne3A_427 = arith.cmpi ne, %rem3A_425, %ne3A_426 : i32
        %lt3A_428 = arith.constant 0 : i32
        %lt3A_429 = arith.cmpi slt, %rem3A_425, %lt3A_428 : i32
        %lt3A_430 = arith.constant 0 : i32
        %lt3A_431 = arith.cmpi slt, %select_n3A_424, %lt3A_430 : i32
        %ne3A_432 = arith.xori %lt3A_429, %lt3A_431 : i1
        %and3A_433 = arith.andi %ne3A_432, %ne3A_427 : i1
        %add3A_434 = arith.addi %rem3A_425, %select_n3A_424 : i32
        %select_n3A_435 = arith.select %and3A_433, %add3A_434, %rem3A_425 : i32
        %mul3A_436 = arith.constant 4 : i32
        %mul3A_437 = arith.muli %select_n3A_435, %mul3A_436 : i32
        %jit3A_438 = arith.constant 8 : i32
        %div3A_439 = arith.divsi %select_n3A_419, %jit3A_438 : i32
        %sign3A_440 = arith.constant 0 : i32
        %sign3A_441 = arith.cmpi sgt, %select_n3A_419, %sign3A_440 : i32
        %sign3A_442 = arith.extui %sign3A_441 : i1 to i32
        %sign3A_443 = arith.constant 0 : i32
        %sign3A_444 = arith.cmpi slt, %select_n3A_419, %sign3A_443 : i32
        %sign3A_445 = arith.extui %sign3A_444 : i1 to i32
        %sign3A_446 = arith.subi %sign3A_442, %sign3A_445 : i32
        %sign3A_447 = arith.constant 0 : i32
        %sign3A_448 = arith.cmpi sgt, %jit3A_438, %sign3A_447 : i32
        %sign3A_449 = arith.extui %sign3A_448 : i1 to i32
        %sign3A_450 = arith.constant 0 : i32
        %sign3A_451 = arith.cmpi slt, %jit3A_438, %sign3A_450 : i32
        %sign3A_452 = arith.extui %sign3A_451 : i1 to i32
        %sign3A_453 = arith.subi %sign3A_449, %sign3A_452 : i32
        %ne3A_454 = arith.cmpi ne, %sign3A_446, %sign3A_453 : i32
        %rem3A_455 = arith.remsi %select_n3A_419, %jit3A_438 : i32
        %ne3A_456 = arith.constant 0 : i32
        %ne3A_457 = arith.cmpi ne, %rem3A_455, %ne3A_456 : i32
        %and3A_458 = arith.andi %ne3A_454, %ne3A_457 : i1
        %sub3A_459 = arith.constant 1 : i32
        %sub3A_460 = arith.subi %div3A_439, %sub3A_459 : i32
        %select_n3A_461 = arith.select %and3A_458, %sub3A_460, %div3A_439 : i32
        %jit3A_462 = arith.constant 8 : i32
        %eq3A_463 = arith.constant 0 : i32
        %eq3A_464 = arith.cmpi eq, %jit3A_462, %eq3A_463 : i32
        %jit3A_465 = arith.constant 1 : i32
        %select_n3A_466 = arith.select %eq3A_464, %jit3A_465, %jit3A_462 : i32
        %rem3A_467 = arith.remsi %select_n3A_419, %select_n3A_466 : i32
        %ne3A_468 = arith.constant 0 : i32
        %ne3A_469 = arith.cmpi ne, %rem3A_467, %ne3A_468 : i32
        %lt3A_470 = arith.constant 0 : i32
        %lt3A_471 = arith.cmpi slt, %rem3A_467, %lt3A_470 : i32
        %lt3A_472 = arith.constant 0 : i32
        %lt3A_473 = arith.cmpi slt, %select_n3A_466, %lt3A_472 : i32
        %ne3A_474 = arith.xori %lt3A_471, %lt3A_473 : i1
        %and3A_475 = arith.andi %ne3A_474, %ne3A_469 : i1
        %add3A_476 = arith.addi %rem3A_467, %select_n3A_466 : i32
        %select_n3A_477 = arith.select %and3A_475, %add3A_476, %rem3A_467 : i32
        %dma_wait3A_478 = arith.constant 0 : i32
        %dma_wait3A_479 = tpu.memref_slice %arg2[%select_n3A_461, %mul3A_437, %select_n3A_477, %dma_wait3A_478] : memref<25x128x8x128xi32, #tpu.memory_space<hbm>> -> memref<1x4x1x128xi32, #tpu.memory_space<hbm>>
        %dma_wait3A_480 = tpu.memref_squeeze %dma_wait3A_479 : memref<1x4x1x128xi32, #tpu.memory_space<hbm>> -> memref<4x128xi32, #tpu.memory_space<hbm>>
        %dma_wait3A_481 = arith.constant 0 : i32
        %dma_wait3A_482 = tpu.memref_slice %arg2[%select_n3A_461, %mul3A_437, %select_n3A_477, %dma_wait3A_481] : memref<25x128x8x128xi32, #tpu.memory_space<hbm>> -> memref<1x4x1x128xi32, #tpu.memory_space<hbm>>
        %dma_wait3A_483 = tpu.memref_squeeze %dma_wait3A_482 : memref<1x4x1x128xi32, #tpu.memory_space<hbm>> -> memref<4x128xi32, #tpu.memory_space<hbm>>
        tpu.wait_dma2 semaphore(%arg12 : memref<!tpu.dma_semaphore, #tpu.memory_space<semaphore_mem>>) src(%dma_wait3A_483 : memref<4x128xi32, #tpu.memory_space<hbm>>) dst(%arg6 : memref<4x128xi32, #tpu.memory_space<vmem>>)
        %dma_start3A_484 = arith.constant 0 : i32
        %dma_start3A_485 = arith.constant 0 : i32
        %dma_start3A_486 = arith.constant 0 : i32
        %dma_start3A_487 = tpu.memref_slice %arg8[%dma_start3A_485, %dma_start3A_486] : memref<512x32xf32, #tpu.memory_space<vmem>> -> memref<128x32xf32, #tpu.memory_space<vmem>>
        %dma_start3A_488 = arith.constant 0 : i32
        %dma_start3A_489 = tpu.memref_slice %arg6[%dma_start3A_484, %dma_start3A_488] : memref<4x128xi32, #tpu.memory_space<vmem>> -> memref<1x128xi32, #tpu.memory_space<vmem>>
        %dma_start3A_490 = tpu.memref_squeeze %dma_start3A_489 : memref<1x128xi32, #tpu.memory_space<vmem>> -> memref<128xi32, #tpu.memory_space<vmem>>
        %dma_start3A_491 = arith.constant 0 : i32
        %dma_start3A_492 = arith.constant 0 : i32
        %dma_start3A_493 = tpu.memref_slice %arg3[%dma_start3A_491, %dma_start3A_492] : memref<1000000x32xf32, #tpu.memory_space<hbm>> -> memref<1000000x32xf32, #tpu.memory_space<hbm>>
        tpu.enqueue_indirect_dma source(%dma_start3A_493 : memref<1000000x32xf32, #tpu.memory_space<hbm>>) target(%dma_start3A_487 : memref<128x32xf32, #tpu.memory_space<vmem>>) offsets(%dma_start3A_490 : memref<128xi32, #tpu.memory_space<vmem>>) semaphore(%arg14 : memref<!tpu.dma_semaphore, #tpu.memory_space<semaphore_mem>>)
        %dma_start3A_494 = arith.constant 1 : i32
        %dma_start3A_495 = arith.constant 128 : i32
        %dma_start3A_496 = arith.constant 0 : i32
        %dma_start3A_497 = tpu.memref_slice %arg8[%dma_start3A_495, %dma_start3A_496] : memref<512x32xf32, #tpu.memory_space<vmem>> -> memref<128x32xf32, #tpu.memory_space<vmem>>
        %dma_start3A_498 = arith.constant 0 : i32
        %dma_start3A_499 = tpu.memref_slice %arg6[%dma_start3A_494, %dma_start3A_498] : memref<4x128xi32, #tpu.memory_space<vmem>> -> memref<1x128xi32, #tpu.memory_space<vmem>>
        %dma_start3A_500 = tpu.memref_squeeze %dma_start3A_499 : memref<1x128xi32, #tpu.memory_space<vmem>> -> memref<128xi32, #tpu.memory_space<vmem>>
        %dma_start3A_501 = arith.constant 0 : i32
        %dma_start3A_502 = arith.constant 0 : i32
        %dma_start3A_503 = tpu.memref_slice %arg3[%dma_start3A_501, %dma_start3A_502] : memref<1000000x32xf32, #tpu.memory_space<hbm>> -> memref<1000000x32xf32, #tpu.memory_space<hbm>>
        tpu.enqueue_indirect_dma source(%dma_start3A_503 : memref<1000000x32xf32, #tpu.memory_space<hbm>>) target(%dma_start3A_497 : memref<128x32xf32, #tpu.memory_space<vmem>>) offsets(%dma_start3A_500 : memref<128xi32, #tpu.memory_space<vmem>>) semaphore(%arg14 : memref<!tpu.dma_semaphore, #tpu.memory_space<semaphore_mem>>)
        %dma_start3A_504 = arith.constant 2 : i32
        %dma_start3A_505 = arith.constant 256 : i32
        %dma_start3A_506 = arith.constant 0 : i32
        %dma_start3A_507 = tpu.memref_slice %arg8[%dma_start3A_505, %dma_start3A_506] : memref<512x32xf32, #tpu.memory_space<vmem>> -> memref<128x32xf32, #tpu.memory_space<vmem>>
        %dma_start3A_508 = arith.constant 0 : i32
        %dma_start3A_509 = tpu.memref_slice %arg6[%dma_start3A_504, %dma_start3A_508] : memref<4x128xi32, #tpu.memory_space<vmem>> -> memref<1x128xi32, #tpu.memory_space<vmem>>
        %dma_start3A_510 = tpu.memref_squeeze %dma_start3A_509 : memref<1x128xi32, #tpu.memory_space<vmem>> -> memref<128xi32, #tpu.memory_space<vmem>>
        %dma_start3A_511 = arith.constant 0 : i32
        %dma_start3A_512 = arith.constant 0 : i32
        %dma_start3A_513 = tpu.memref_slice %arg3[%dma_start3A_511, %dma_start3A_512] : memref<1000000x32xf32, #tpu.memory_space<hbm>> -> memref<1000000x32xf32, #tpu.memory_space<hbm>>
        tpu.enqueue_indirect_dma source(%dma_start3A_513 : memref<1000000x32xf32, #tpu.memory_space<hbm>>) target(%dma_start3A_507 : memref<128x32xf32, #tpu.memory_space<vmem>>) offsets(%dma_start3A_510 : memref<128xi32, #tpu.memory_space<vmem>>) semaphore(%arg14 : memref<!tpu.dma_semaphore, #tpu.memory_space<semaphore_mem>>)
        %dma_start3A_514 = arith.constant 3 : i32
        %dma_start3A_515 = arith.constant 384 : i32
        %dma_start3A_516 = arith.constant 0 : i32
        %dma_start3A_517 = tpu.memref_slice %arg8[%dma_start3A_515, %dma_start3A_516] : memref<512x32xf32, #tpu.memory_space<vmem>> -> memref<128x32xf32, #tpu.memory_space<vmem>>
        %dma_start3A_518 = arith.constant 0 : i32
        %dma_start3A_519 = tpu.memref_slice %arg6[%dma_start3A_514, %dma_start3A_518] : memref<4x128xi32, #tpu.memory_space<vmem>> -> memref<1x128xi32, #tpu.memory_space<vmem>>
        %dma_start3A_520 = tpu.memref_squeeze %dma_start3A_519 : memref<1x128xi32, #tpu.memory_space<vmem>> -> memref<128xi32, #tpu.memory_space<vmem>>
        %dma_start3A_521 = arith.constant 0 : i32
        %dma_start3A_522 = arith.constant 0 : i32
        %dma_start3A_523 = tpu.memref_slice %arg3[%dma_start3A_521, %dma_start3A_522] : memref<1000000x32xf32, #tpu.memory_space<hbm>> -> memref<1000000x32xf32, #tpu.memory_space<hbm>>
        tpu.enqueue_indirect_dma source(%dma_start3A_523 : memref<1000000x32xf32, #tpu.memory_space<hbm>>) target(%dma_start3A_517 : memref<128x32xf32, #tpu.memory_space<vmem>>) offsets(%dma_start3A_520 : memref<128xi32, #tpu.memory_space<vmem>>) semaphore(%arg14 : memref<!tpu.dma_semaphore, #tpu.memory_space<semaphore_mem>>)
      } else {
      }
      %ge3A_380 = arith.constant 1 : i32
      %ge3A_381 = arith.cmpi sge, %add3A_374, %ge3A_380 : i32
      %le3A_382 = arith.constant 200 : i32
      %le3A_383 = arith.cmpi sle, %add3A_374, %le3A_382 : i32
      %and3A_384 = arith.andi %ge3A_381, %le3A_383 : i1
      %convert_element_type3A_385 = arith.extui %and3A_384 : i1 to i32
      %cond3A_386 = arith.constant 0 : i32
      %cond3A_387 = arith.cmpi ne, %convert_element_type3A_385, %cond3A_386 : i32
      scf.if %cond3A_387 {
        %sub3A_395 = arith.constant 1 : i32
        %sub3A_396 = arith.subi %add3A_374, %sub3A_395 : i32
        %dma_wait3A_397 = arith.constant 0 : i32
        %dma_wait3A_398 = arith.constant 0 : i32
        %dma_wait3A_399 = arith.constant 0 : i32
        %dma_wait3A_400 = tpu.memref_slice %arg7[%dma_wait3A_398, %dma_wait3A_399] : memref<512x32xf32, #tpu.memory_space<vmem>> -> memref<128x32xf32, #tpu.memory_space<vmem>>
        %dma_wait3A_401 = arith.constant 0 : i32
        %dma_wait3A_402 = tpu.memref_slice %arg5[%dma_wait3A_397, %dma_wait3A_401] : memref<4x128xi32, #tpu.memory_space<vmem>> -> memref<1x128xi32, #tpu.memory_space<vmem>>
        %dma_wait3A_403 = tpu.memref_squeeze %dma_wait3A_402 : memref<1x128xi32, #tpu.memory_space<vmem>> -> memref<128xi32, #tpu.memory_space<vmem>>
        %dma_wait3A_404 = arith.constant 0 : i32
        %dma_wait3A_405 = arith.constant 0 : i32
        %dma_wait3A_406 = tpu.memref_slice %arg3[%dma_wait3A_404, %dma_wait3A_405] : memref<1000000x32xf32, #tpu.memory_space<hbm>> -> memref<1000000x32xf32, #tpu.memory_space<hbm>>
        tpu.wait_indirect_dma semaphore(%arg13 : memref<!tpu.dma_semaphore, #tpu.memory_space<semaphore_mem>>) src(%dma_wait3A_406 : memref<1000000x32xf32, #tpu.memory_space<hbm>>) dst(%dma_wait3A_400 : memref<128x32xf32, #tpu.memory_space<vmem>>)
        %sub3A_407 = arith.constant 1 : i32
        %sub3A_408 = arith.subi %add3A_374, %sub3A_407 : i32
        %dma_wait3A_409 = arith.constant 1 : i32
        %dma_wait3A_410 = arith.constant 128 : i32
        %dma_wait3A_411 = arith.constant 0 : i32
        %dma_wait3A_412 = tpu.memref_slice %arg7[%dma_wait3A_410, %dma_wait3A_411] : memref<512x32xf32, #tpu.memory_space<vmem>> -> memref<128x32xf32, #tpu.memory_space<vmem>>
        %dma_wait3A_413 = arith.constant 0 : i32
        %dma_wait3A_414 = tpu.memref_slice %arg5[%dma_wait3A_409, %dma_wait3A_413] : memref<4x128xi32, #tpu.memory_space<vmem>> -> memref<1x128xi32, #tpu.memory_space<vmem>>
        %dma_wait3A_415 = tpu.memref_squeeze %dma_wait3A_414 : memref<1x128xi32, #tpu.memory_space<vmem>> -> memref<128xi32, #tpu.memory_space<vmem>>
        %dma_wait3A_416 = arith.constant 0 : i32
        %dma_wait3A_417 = arith.constant 0 : i32
        %dma_wait3A_418 = tpu.memref_slice %arg3[%dma_wait3A_416, %dma_wait3A_417] : memref<1000000x32xf32, #tpu.memory_space<hbm>> -> memref<1000000x32xf32, #tpu.memory_space<hbm>>
        tpu.wait_indirect_dma semaphore(%arg13 : memref<!tpu.dma_semaphore, #tpu.memory_space<semaphore_mem>>) src(%dma_wait3A_418 : memref<1000000x32xf32, #tpu.memory_space<hbm>>) dst(%dma_wait3A_412 : memref<128x32xf32, #tpu.memory_space<vmem>>)
        %sub3A_419 = arith.constant 1 : i32
        %sub3A_420 = arith.subi %add3A_374, %sub3A_419 : i32
        %dma_wait3A_421 = arith.constant 2 : i32
        %dma_wait3A_422 = arith.constant 256 : i32
        %dma_wait3A_423 = arith.constant 0 : i32
        %dma_wait3A_424 = tpu.memref_slice %arg7[%dma_wait3A_422, %dma_wait3A_423] : memref<512x32xf32, #tpu.memory_space<vmem>> -> memref<128x32xf32, #tpu.memory_space<vmem>>
        %dma_wait3A_425 = arith.constant 0 : i32
        %dma_wait3A_426 = tpu.memref_slice %arg5[%dma_wait3A_421, %dma_wait3A_425] : memref<4x128xi32, #tpu.memory_space<vmem>> -> memref<1x128xi32, #tpu.memory_space<vmem>>
        %dma_wait3A_427 = tpu.memref_squeeze %dma_wait3A_426 : memref<1x128xi32, #tpu.memory_space<vmem>> -> memref<128xi32, #tpu.memory_space<vmem>>
        %dma_wait3A_428 = arith.constant 0 : i32
        %dma_wait3A_429 = arith.constant 0 : i32
        %dma_wait3A_430 = tpu.memref_slice %arg3[%dma_wait3A_428, %dma_wait3A_429] : memref<1000000x32xf32, #tpu.memory_space<hbm>> -> memref<1000000x32xf32, #tpu.memory_space<hbm>>
        tpu.wait_indirect_dma semaphore(%arg13 : memref<!tpu.dma_semaphore, #tpu.memory_space<semaphore_mem>>) src(%dma_wait3A_430 : memref<1000000x32xf32, #tpu.memory_space<hbm>>) dst(%dma_wait3A_424 : memref<128x32xf32, #tpu.memory_space<vmem>>)
        %sub3A_431 = arith.constant 1 : i32
        %sub3A_432 = arith.subi %add3A_374, %sub3A_431 : i32
        %dma_wait3A_433 = arith.constant 3 : i32
        %dma_wait3A_434 = arith.constant 384 : i32
        %dma_wait3A_435 = arith.constant 0 : i32
        %dma_wait3A_436 = tpu.memref_slice %arg7[%dma_wait3A_434, %dma_wait3A_435] : memref<512x32xf32, #tpu.memory_space<vmem>> -> memref<128x32xf32, #tpu.memory_space<vmem>>
        %dma_wait3A_437 = arith.constant 0 : i32
        %dma_wait3A_438 = tpu.memref_slice %arg5[%dma_wait3A_433, %dma_wait3A_437] : memref<4x128xi32, #tpu.memory_space<vmem>> -> memref<1x128xi32, #tpu.memory_space<vmem>>
        %dma_wait3A_439 = tpu.memref_squeeze %dma_wait3A_438 : memref<1x128xi32, #tpu.memory_space<vmem>> -> memref<128xi32, #tpu.memory_space<vmem>>
        %dma_wait3A_440 = arith.constant 0 : i32
        %dma_wait3A_441 = arith.constant 0 : i32
        %dma_wait3A_442 = tpu.memref_slice %arg3[%dma_wait3A_440, %dma_wait3A_441] : memref<1000000x32xf32, #tpu.memory_space<hbm>> -> memref<1000000x32xf32, #tpu.memory_space<hbm>>
        tpu.wait_indirect_dma semaphore(%arg13 : memref<!tpu.dma_semaphore, #tpu.memory_space<semaphore_mem>>) src(%dma_wait3A_442 : memref<1000000x32xf32, #tpu.memory_space<hbm>>) dst(%dma_wait3A_436 : memref<128x32xf32, #tpu.memory_space<vmem>>)
        %ge3A_443 = arith.constant 3 : i32
        %ge3A_444 = arith.cmpi sge, %add3A_374, %ge3A_443 : i32
        %convert_element_type3A_445 = arith.extui %ge3A_444 : i1 to i32
        %cond3A_446 = arith.constant 0 : i32
        %cond3A_447 = arith.cmpi ne, %convert_element_type3A_445, %cond3A_446 : i32
        scf.if %cond3A_447 {
          %sub3A_571 = arith.constant 3 : i32
          %sub3A_572 = arith.subi %add3A_374, %sub3A_571 : i32
          %add3A_573 = arith.addi %mul3A_2, %sub3A_572 : i32
          %jit3A_574 = arith.constant 32 : i32
          %div3A_575 = arith.divsi %add3A_573, %jit3A_574 : i32
          %sign3A_576 = arith.constant 0 : i32
          %sign3A_577 = arith.cmpi sgt, %add3A_573, %sign3A_576 : i32
          %sign3A_578 = arith.extui %sign3A_577 : i1 to i32
          %sign3A_579 = arith.constant 0 : i32
          %sign3A_580 = arith.cmpi slt, %add3A_573, %sign3A_579 : i32
          %sign3A_581 = arith.extui %sign3A_580 : i1 to i32
          %sign3A_582 = arith.subi %sign3A_578, %sign3A_581 : i32
          %sign3A_583 = arith.constant 0 : i32
          %sign3A_584 = arith.cmpi sgt, %jit3A_574, %sign3A_583 : i32
          %sign3A_585 = arith.extui %sign3A_584 : i1 to i32
          %sign3A_586 = arith.constant 0 : i32
          %sign3A_587 = arith.cmpi slt, %jit3A_574, %sign3A_586 : i32
          %sign3A_588 = arith.extui %sign3A_587 : i1 to i32
          %sign3A_589 = arith.subi %sign3A_585, %sign3A_588 : i32
          %ne3A_590 = arith.cmpi ne, %sign3A_582, %sign3A_589 : i32
          %rem3A_591 = arith.remsi %add3A_573, %jit3A_574 : i32
          %ne3A_592 = arith.constant 0 : i32
          %ne3A_593 = arith.cmpi ne, %rem3A_591, %ne3A_592 : i32
          %and3A_594 = arith.andi %ne3A_590, %ne3A_593 : i1
          %sub3A_595 = arith.constant 1 : i32
          %sub3A_596 = arith.subi %div3A_575, %sub3A_595 : i32
          %select_n3A_597 = arith.select %and3A_594, %sub3A_596, %div3A_575 : i32
          %jit3A_598 = arith.constant 32 : i32
          %eq3A_599 = arith.constant 0 : i32
          %eq3A_600 = arith.cmpi eq, %jit3A_598, %eq3A_599 : i32
          %jit3A_601 = arith.constant 1 : i32
          %select_n3A_602 = arith.select %eq3A_600, %jit3A_601, %jit3A_598 : i32
          %rem3A_603 = arith.remsi %add3A_573, %select_n3A_602 : i32
          %ne3A_604 = arith.constant 0 : i32
          %ne3A_605 = arith.cmpi ne, %rem3A_603, %ne3A_604 : i32
          %lt3A_606 = arith.constant 0 : i32
          %lt3A_607 = arith.cmpi slt, %rem3A_603, %lt3A_606 : i32
          %lt3A_608 = arith.constant 0 : i32
          %lt3A_609 = arith.cmpi slt, %select_n3A_602, %lt3A_608 : i32
          %ne3A_610 = arith.xori %lt3A_607, %lt3A_609 : i1
          %and3A_611 = arith.andi %ne3A_610, %ne3A_605 : i1
          %add3A_612 = arith.addi %rem3A_603, %select_n3A_602 : i32
          %select_n3A_613 = arith.select %and3A_611, %add3A_612, %rem3A_603 : i32
          %mul3A_614 = arith.constant 4 : i32
          %mul3A_615 = arith.muli %select_n3A_613, %mul3A_614 : i32
          %jit3A_616 = arith.constant 8 : i32
          %div3A_617 = arith.divsi %select_n3A_597, %jit3A_616 : i32
          %sign3A_618 = arith.constant 0 : i32
          %sign3A_619 = arith.cmpi sgt, %select_n3A_597, %sign3A_618 : i32
          %sign3A_620 = arith.extui %sign3A_619 : i1 to i32
          %sign3A_621 = arith.constant 0 : i32
          %sign3A_622 = arith.cmpi slt, %select_n3A_597, %sign3A_621 : i32
          %sign3A_623 = arith.extui %sign3A_622 : i1 to i32
          %sign3A_624 = arith.subi %sign3A_620, %sign3A_623 : i32
          %sign3A_625 = arith.constant 0 : i32
          %sign3A_626 = arith.cmpi sgt, %jit3A_616, %sign3A_625 : i32
          %sign3A_627 = arith.extui %sign3A_626 : i1 to i32
          %sign3A_628 = arith.constant 0 : i32
          %sign3A_629 = arith.cmpi slt, %jit3A_616, %sign3A_628 : i32
          %sign3A_630 = arith.extui %sign3A_629 : i1 to i32
          %sign3A_631 = arith.subi %sign3A_627, %sign3A_630 : i32
          %ne3A_632 = arith.cmpi ne, %sign3A_624, %sign3A_631 : i32
          %rem3A_633 = arith.remsi %select_n3A_597, %jit3A_616 : i32
          %ne3A_634 = arith.constant 0 : i32
          %ne3A_635 = arith.cmpi ne, %rem3A_633, %ne3A_634 : i32
          %and3A_636 = arith.andi %ne3A_632, %ne3A_635 : i1
          %sub3A_637 = arith.constant 1 : i32
          %sub3A_638 = arith.subi %div3A_617, %sub3A_637 : i32
          %select_n3A_639 = arith.select %and3A_636, %sub3A_638, %div3A_617 : i32
          %jit3A_640 = arith.constant 8 : i32
          %eq3A_641 = arith.constant 0 : i32
          %eq3A_642 = arith.cmpi eq, %jit3A_640, %eq3A_641 : i32
          %jit3A_643 = arith.constant 1 : i32
          %select_n3A_644 = arith.select %eq3A_642, %jit3A_643, %jit3A_640 : i32
          %rem3A_645 = arith.remsi %select_n3A_597, %select_n3A_644 : i32
          %ne3A_646 = arith.constant 0 : i32
          %ne3A_647 = arith.cmpi ne, %rem3A_645, %ne3A_646 : i32
          %lt3A_648 = arith.constant 0 : i32
          %lt3A_649 = arith.cmpi slt, %rem3A_645, %lt3A_648 : i32
          %lt3A_650 = arith.constant 0 : i32
          %lt3A_651 = arith.cmpi slt, %select_n3A_644, %lt3A_650 : i32
          %ne3A_652 = arith.xori %lt3A_649, %lt3A_651 : i1
          %and3A_653 = arith.andi %ne3A_652, %ne3A_647 : i1
          %add3A_654 = arith.addi %rem3A_645, %select_n3A_644 : i32
          %select_n3A_655 = arith.select %and3A_653, %add3A_654, %rem3A_645 : i32
          %dma_wait3A_656 = arith.constant 0 : i32
          %dma_wait3A_657 = arith.constant 0 : i32
          %dma_wait3A_658 = arith.constant 0 : i32
          %dma_wait3A_659 = arith.constant 0 : i32
          %dma_wait3A_660 = tpu.memref_slice %arg9[%dma_wait3A_656, %dma_wait3A_657, %dma_wait3A_658, %dma_wait3A_659] : memref<4x4x8x129xf32, #tpu.memory_space<vmem>> -> memref<4x4x8x128xf32, #tpu.memory_space<vmem>>
          %dma_wait3A_661 = arith.constant 0 : i32
          %dma_wait3A_662 = arith.constant 0 : i32
          %dma_wait3A_663 = arith.constant 0 : i32
          %dma_wait3A_664 = tpu.memref_slice %arg4[%select_n3A_597, %dma_wait3A_661, %mul3A_615, %dma_wait3A_662, %dma_wait3A_663] : memref<200x4x128x8x128xf32, #tpu.memory_space<hbm>> -> memref<1x4x4x8x128xf32, #tpu.memory_space<hbm>>
          %dma_wait3A_665 = tpu.memref_squeeze %dma_wait3A_664 : memref<1x4x4x8x128xf32, #tpu.memory_space<hbm>> -> memref<4x4x8x128xf32, #tpu.memory_space<hbm>>
          %dma_wait3A_666 = arith.constant 0 : i32
          %dma_wait3A_667 = arith.constant 0 : i32
          %dma_wait3A_668 = arith.constant 0 : i32
          %dma_wait3A_669 = tpu.memref_slice %arg4[%select_n3A_597, %dma_wait3A_666, %mul3A_615, %dma_wait3A_667, %dma_wait3A_668] : memref<200x4x128x8x128xf32, #tpu.memory_space<hbm>> -> memref<1x4x4x8x128xf32, #tpu.memory_space<hbm>>
          %dma_wait3A_670 = tpu.memref_squeeze %dma_wait3A_669 : memref<1x4x4x8x128xf32, #tpu.memory_space<hbm>> -> memref<4x4x8x128xf32, #tpu.memory_space<hbm>>
          %dma_wait3A_671 = arith.constant 0 : i32
          %dma_wait3A_672 = arith.constant 0 : i32
          %dma_wait3A_673 = arith.constant 0 : i32
          %dma_wait3A_674 = arith.constant 0 : i32
          %dma_wait3A_675 = tpu.memref_slice %arg9[%dma_wait3A_671, %dma_wait3A_672, %dma_wait3A_673, %dma_wait3A_674] : memref<4x4x8x129xf32, #tpu.memory_space<vmem>> -> memref<4x4x8x128xf32, #tpu.memory_space<vmem>>
          tpu.wait_dma2 semaphore(%arg15 : memref<!tpu.dma_semaphore, #tpu.memory_space<semaphore_mem>>) src(%dma_wait3A_675 : memref<4x4x8x128xf32, #tpu.memory_space<vmem>>) dst(%dma_wait3A_670 : memref<4x4x8x128xf32, #tpu.memory_space<hbm>>)
        } else {
        }
        %broadcast_in_dim3A = arith.constant 0 : i32
        %broadcast_in_dim3A_448 = vector.broadcast %broadcast_in_dim3A : i32 to vector<16xi32>
        %parallel_loop3A = arith.constant 0 : i32
        %parallel_loop3A_449 = arith.constant 128 : i32
        %parallel_loop3A_450 = arith.constant 1 : i32
        scf.for %parallel_loop3A_571 = %parallel_loop3A to %parallel_loop3A_449 step %parallel_loop3A_450  : i32 {
          %parallel_loop3A_572 = arith.constant 0 : i32
          %parallel_loop3A_573 = arith.addi %parallel_loop3A_572, %parallel_loop3A_571 : i32
          %parallel_loop3A_574 = vector.broadcast %parallel_loop3A_571 : i32 to vector<16xi32>
          %parallel_loop3A_575 = arith.index_cast %parallel_loop3A_573 : i32 to index
          %parallel_loop3A_576 = arith.constant 0 : index
          %parallel_loop3A_577 = tpu.vector_load %arg7[%parallel_loop3A_575, %parallel_loop3A_576] {strides = array<i32>} : memref<512x32xf32, #tpu.memory_space<vmem>>, vector<16xf32>,
          %parallel_loop3A_578 = arith.index_cast %parallel_loop3A_573 : i32 to index
          %parallel_loop3A_579 = arith.constant 16 : index
          %parallel_loop3A_580 = tpu.vector_load %arg7[%parallel_loop3A_578, %parallel_loop3A_579] {strides = array<i32>} : memref<512x32xf32, #tpu.memory_space<vmem>>, vector<16xf32>,
          tpu.vector_store_idx %arg9[%select_n3A, %broadcast_in_dim3A_448, %select_n3A_45, %parallel_loop3A_574], %parallel_loop3A_577 : memref<4x4x8x129xf32, #tpu.memory_space<vmem>>[vector<16xi32>, vector<16xi32>, vector<16xi32>, vector<16xi32>], vector<16xf32>,
          tpu.vector_store_idx %arg9[%add3A_48, %broadcast_in_dim3A_448, %select_n3A_45, %parallel_loop3A_574], %parallel_loop3A_580 : memref<4x4x8x129xf32, #tpu.memory_space<vmem>>[vector<16xi32>, vector<16xi32>, vector<16xi32>, vector<16xi32>], vector<16xf32>,
        } {sc.loop_unroll_factor = 4 : i64, sc.parallel_access}
        %broadcast_in_dim3A_451 = arith.constant 1 : i32
        %broadcast_in_dim3A_452 = vector.broadcast %broadcast_in_dim3A_451 : i32 to vector<16xi32>
        %parallel_loop3A_453 = arith.constant 0 : i32
        %parallel_loop3A_454 = arith.constant 128 : i32
        %parallel_loop3A_455 = arith.constant 1 : i32
        scf.for %parallel_loop3A_571 = %parallel_loop3A_453 to %parallel_loop3A_454 step %parallel_loop3A_455  : i32 {
          %parallel_loop3A_572 = arith.constant 128 : i32
          %parallel_loop3A_573 = arith.addi %parallel_loop3A_572, %parallel_loop3A_571 : i32
          %parallel_loop3A_574 = vector.broadcast %parallel_loop3A_571 : i32 to vector<16xi32>
          %parallel_loop3A_575 = arith.index_cast %parallel_loop3A_573 : i32 to index
          %parallel_loop3A_576 = arith.constant 0 : index
          %parallel_loop3A_577 = tpu.vector_load %arg7[%parallel_loop3A_575, %parallel_loop3A_576] {strides = array<i32>} : memref<512x32xf32, #tpu.memory_space<vmem>>, vector<16xf32>,
          %parallel_loop3A_578 = arith.index_cast %parallel_loop3A_573 : i32 to index
          %parallel_loop3A_579 = arith.constant 16 : index
          %parallel_loop3A_580 = tpu.vector_load %arg7[%parallel_loop3A_578, %parallel_loop3A_579] {strides = array<i32>} : memref<512x32xf32, #tpu.memory_space<vmem>>, vector<16xf32>,
          tpu.vector_store_idx %arg9[%select_n3A, %broadcast_in_dim3A_452, %select_n3A_45, %parallel_loop3A_574], %parallel_loop3A_577 : memref<4x4x8x129xf32, #tpu.memory_space<vmem>>[vector<16xi32>, vector<16xi32>, vector<16xi32>, vector<16xi32>], vector<16xf32>,
          tpu.vector_store_idx %arg9[%add3A_48, %broadcast_in_dim3A_452, %select_n3A_45, %parallel_loop3A_574], %parallel_loop3A_580 : memref<4x4x8x129xf32, #tpu.memory_space<vmem>>[vector<16xi32>, vector<16xi32>, vector<16xi32>, vector<16xi32>], vector<16xf32>,
        } {sc.loop_unroll_factor = 4 : i64, sc.parallel_access}
        %broadcast_in_dim3A_456 = arith.constant 2 : i32
        %broadcast_in_dim3A_457 = vector.broadcast %broadcast_in_dim3A_456 : i32 to vector<16xi32>
        %parallel_loop3A_458 = arith.constant 0 : i32
        %parallel_loop3A_459 = arith.constant 128 : i32
        %parallel_loop3A_460 = arith.constant 1 : i32
        scf.for %parallel_loop3A_571 = %parallel_loop3A_458 to %parallel_loop3A_459 step %parallel_loop3A_460  : i32 {
          %parallel_loop3A_572 = arith.constant 256 : i32
          %parallel_loop3A_573 = arith.addi %parallel_loop3A_572, %parallel_loop3A_571 : i32
          %parallel_loop3A_574 = vector.broadcast %parallel_loop3A_571 : i32 to vector<16xi32>
          %parallel_loop3A_575 = arith.index_cast %parallel_loop3A_573 : i32 to index
          %parallel_loop3A_576 = arith.constant 0 : index
          %parallel_loop3A_577 = tpu.vector_load %arg7[%parallel_loop3A_575, %parallel_loop3A_576] {strides = array<i32>} : memref<512x32xf32, #tpu.memory_space<vmem>>, vector<16xf32>,
          %parallel_loop3A_578 = arith.index_cast %parallel_loop3A_573 : i32 to index
          %parallel_loop3A_579 = arith.constant 16 : index
          %parallel_loop3A_580 = tpu.vector_load %arg7[%parallel_loop3A_578, %parallel_loop3A_579] {strides = array<i32>} : memref<512x32xf32, #tpu.memory_space<vmem>>, vector<16xf32>,
          tpu.vector_store_idx %arg9[%select_n3A, %broadcast_in_dim3A_457, %select_n3A_45, %parallel_loop3A_574], %parallel_loop3A_577 : memref<4x4x8x129xf32, #tpu.memory_space<vmem>>[vector<16xi32>, vector<16xi32>, vector<16xi32>, vector<16xi32>], vector<16xf32>,
          tpu.vector_store_idx %arg9[%add3A_48, %broadcast_in_dim3A_457, %select_n3A_45, %parallel_loop3A_574], %parallel_loop3A_580 : memref<4x4x8x129xf32, #tpu.memory_space<vmem>>[vector<16xi32>, vector<16xi32>, vector<16xi32>, vector<16xi32>], vector<16xf32>,
        } {sc.loop_unroll_factor = 4 : i64, sc.parallel_access}
        %broadcast_in_dim3A_461 = arith.constant 3 : i32
        %broadcast_in_dim3A_462 = vector.broadcast %broadcast_in_dim3A_461 : i32 to vector<16xi32>
        %parallel_loop3A_463 = arith.constant 0 : i32
        %parallel_loop3A_464 = arith.constant 128 : i32
        %parallel_loop3A_465 = arith.constant 1 : i32
        scf.for %parallel_loop3A_571 = %parallel_loop3A_463 to %parallel_loop3A_464 step %parallel_loop3A_465  : i32 {
          %parallel_loop3A_572 = arith.constant 384 : i32
          %parallel_loop3A_573 = arith.addi %parallel_loop3A_572, %parallel_loop3A_571 : i32
          %parallel_loop3A_574 = vector.broadcast %parallel_loop3A_571 : i32 to vector<16xi32>
          %parallel_loop3A_575 = arith.index_cast %parallel_loop3A_573 : i32 to index
          %parallel_loop3A_576 = arith.constant 0 : index
          %parallel_loop3A_577 = tpu.vector_load %arg7[%parallel_loop3A_575, %parallel_loop3A_576] {strides = array<i32>} : memref<512x32xf32, #tpu.memory_space<vmem>>, vector<16xf32>,
          %parallel_loop3A_578 = arith.index_cast %parallel_loop3A_573 : i32 to index
          %parallel_loop3A_579 = arith.constant 16 : index
          %parallel_loop3A_580 = tpu.vector_load %arg7[%parallel_loop3A_578, %parallel_loop3A_579] {strides = array<i32>} : memref<512x32xf32, #tpu.memory_space<vmem>>, vector<16xf32>,
          tpu.vector_store_idx %arg9[%select_n3A, %broadcast_in_dim3A_462, %select_n3A_45, %parallel_loop3A_574], %parallel_loop3A_577 : memref<4x4x8x129xf32, #tpu.memory_space<vmem>>[vector<16xi32>, vector<16xi32>, vector<16xi32>, vector<16xi32>], vector<16xf32>,
          tpu.vector_store_idx %arg9[%add3A_48, %broadcast_in_dim3A_462, %select_n3A_45, %parallel_loop3A_574], %parallel_loop3A_580 : memref<4x4x8x129xf32, #tpu.memory_space<vmem>>[vector<16xi32>, vector<16xi32>, vector<16xi32>, vector<16xi32>], vector<16xf32>,
        } {sc.loop_unroll_factor = 4 : i64, sc.parallel_access}
        %sub3A_466 = arith.constant 1 : i32
        %sub3A_467 = arith.subi %add3A_374, %sub3A_466 : i32
        %add3A_468 = arith.addi %mul3A_2, %sub3A_467 : i32
        %jit3A_469 = arith.constant 32 : i32
        %div3A_470 = arith.divsi %add3A_468, %jit3A_469 : i32
        %sign3A_471 = arith.constant 0 : i32
        %sign3A_472 = arith.cmpi sgt, %add3A_468, %sign3A_471 : i32
        %sign3A_473 = arith.extui %sign3A_472 : i1 to i32
        %sign3A_474 = arith.constant 0 : i32
        %sign3A_475 = arith.cmpi slt, %add3A_468, %sign3A_474 : i32
        %sign3A_476 = arith.extui %sign3A_475 : i1 to i32
        %sign3A_477 = arith.subi %sign3A_473, %sign3A_476 : i32
        %sign3A_478 = arith.constant 0 : i32
        %sign3A_479 = arith.cmpi sgt, %jit3A_469, %sign3A_478 : i32
        %sign3A_480 = arith.extui %sign3A_479 : i1 to i32
        %sign3A_481 = arith.constant 0 : i32
        %sign3A_482 = arith.cmpi slt, %jit3A_469, %sign3A_481 : i32
        %sign3A_483 = arith.extui %sign3A_482 : i1 to i32
        %sign3A_484 = arith.subi %sign3A_480, %sign3A_483 : i32
        %ne3A_485 = arith.cmpi ne, %sign3A_477, %sign3A_484 : i32
        %rem3A_486 = arith.remsi %add3A_468, %jit3A_469 : i32
        %ne3A_487 = arith.constant 0 : i32
        %ne3A_488 = arith.cmpi ne, %rem3A_486, %ne3A_487 : i32
        %and3A_489 = arith.andi %ne3A_485, %ne3A_488 : i1
        %sub3A_490 = arith.constant 1 : i32
        %sub3A_491 = arith.subi %div3A_470, %sub3A_490 : i32
        %select_n3A_492 = arith.select %and3A_489, %sub3A_491, %div3A_470 : i32
        %jit3A_493 = arith.constant 32 : i32
        %eq3A_494 = arith.constant 0 : i32
        %eq3A_495 = arith.cmpi eq, %jit3A_493, %eq3A_494 : i32
        %jit3A_496 = arith.constant 1 : i32
        %select_n3A_497 = arith.select %eq3A_495, %jit3A_496, %jit3A_493 : i32
        %rem3A_498 = arith.remsi %add3A_468, %select_n3A_497 : i32
        %ne3A_499 = arith.constant 0 : i32
        %ne3A_500 = arith.cmpi ne, %rem3A_498, %ne3A_499 : i32
        %lt3A_501 = arith.constant 0 : i32
        %lt3A_502 = arith.cmpi slt, %rem3A_498, %lt3A_501 : i32
        %lt3A_503 = arith.constant 0 : i32
        %lt3A_504 = arith.cmpi slt, %select_n3A_497, %lt3A_503 : i32
        %ne3A_505 = arith.xori %lt3A_502, %lt3A_504 : i1
        %and3A_506 = arith.andi %ne3A_505, %ne3A_500 : i1
        %add3A_507 = arith.addi %rem3A_498, %select_n3A_497 : i32
        %select_n3A_508 = arith.select %and3A_506, %add3A_507, %rem3A_498 : i32
        %mul3A_509 = arith.constant 4 : i32
        %mul3A_510 = arith.muli %select_n3A_508, %mul3A_509 : i32
        %jit3A_511 = arith.constant 8 : i32
        %div3A_512 = arith.divsi %select_n3A_492, %jit3A_511 : i32
        %sign3A_513 = arith.constant 0 : i32
        %sign3A_514 = arith.cmpi sgt, %select_n3A_492, %sign3A_513 : i32
        %sign3A_515 = arith.extui %sign3A_514 : i1 to i32
        %sign3A_516 = arith.constant 0 : i32
        %sign3A_517 = arith.cmpi slt, %select_n3A_492, %sign3A_516 : i32
        %sign3A_518 = arith.extui %sign3A_517 : i1 to i32
        %sign3A_519 = arith.subi %sign3A_515, %sign3A_518 : i32
        %sign3A_520 = arith.constant 0 : i32
        %sign3A_521 = arith.cmpi sgt, %jit3A_511, %sign3A_520 : i32
        %sign3A_522 = arith.extui %sign3A_521 : i1 to i32
        %sign3A_523 = arith.constant 0 : i32
        %sign3A_524 = arith.cmpi slt, %jit3A_511, %sign3A_523 : i32
        %sign3A_525 = arith.extui %sign3A_524 : i1 to i32
        %sign3A_526 = arith.subi %sign3A_522, %sign3A_525 : i32
        %ne3A_527 = arith.cmpi ne, %sign3A_519, %sign3A_526 : i32
        %rem3A_528 = arith.remsi %select_n3A_492, %jit3A_511 : i32
        %ne3A_529 = arith.constant 0 : i32
        %ne3A_530 = arith.cmpi ne, %rem3A_528, %ne3A_529 : i32
        %and3A_531 = arith.andi %ne3A_527, %ne3A_530 : i1
        %sub3A_532 = arith.constant 1 : i32
        %sub3A_533 = arith.subi %div3A_512, %sub3A_532 : i32
        %select_n3A_534 = arith.select %and3A_531, %sub3A_533, %div3A_512 : i32
        %jit3A_535 = arith.constant 8 : i32
        %eq3A_536 = arith.constant 0 : i32
        %eq3A_537 = arith.cmpi eq, %jit3A_535, %eq3A_536 : i32
        %jit3A_538 = arith.constant 1 : i32
        %select_n3A_539 = arith.select %eq3A_537, %jit3A_538, %jit3A_535 : i32
        %rem3A_540 = arith.remsi %select_n3A_492, %select_n3A_539 : i32
        %ne3A_541 = arith.constant 0 : i32
        %ne3A_542 = arith.cmpi ne, %rem3A_540, %ne3A_541 : i32
        %lt3A_543 = arith.constant 0 : i32
        %lt3A_544 = arith.cmpi slt, %rem3A_540, %lt3A_543 : i32
        %lt3A_545 = arith.constant 0 : i32
        %lt3A_546 = arith.cmpi slt, %select_n3A_539, %lt3A_545 : i32
        %ne3A_547 = arith.xori %lt3A_544, %lt3A_546 : i1
        %and3A_548 = arith.andi %ne3A_547, %ne3A_542 : i1
        %add3A_549 = arith.addi %rem3A_540, %select_n3A_539 : i32
        %select_n3A_550 = arith.select %and3A_548, %add3A_549, %rem3A_540 : i32
        %dma_start3A_551 = arith.constant 0 : i32
        %dma_start3A_552 = arith.constant 0 : i32
        %dma_start3A_553 = arith.constant 0 : i32
        %dma_start3A_554 = arith.constant 0 : i32
        %dma_start3A_555 = tpu.memref_slice %arg9[%dma_start3A_551, %dma_start3A_552, %dma_start3A_553, %dma_start3A_554] : memref<4x4x8x129xf32, #tpu.memory_space<vmem>> -> memref<4x4x8x128xf32, #tpu.memory_space<vmem>>
        %dma_start3A_556 = arith.constant 0 : i32
        %dma_start3A_557 = arith.constant 0 : i32
        %dma_start3A_558 = arith.constant 0 : i32
        %dma_start3A_559 = tpu.memref_slice %arg4[%select_n3A_492, %dma_start3A_556, %mul3A_510, %dma_start3A_557, %dma_start3A_558] : memref<200x4x128x8x128xf32, #tpu.memory_space<hbm>> -> memref<1x4x4x8x128xf32, #tpu.memory_space<hbm>>
        %dma_start3A_560 = tpu.memref_squeeze %dma_start3A_559 : memref<1x4x4x8x128xf32, #tpu.memory_space<hbm>> -> memref<4x4x8x128xf32, #tpu.memory_space<hbm>>
        %dma_start3A_561 = arith.constant 0 : i32
        %dma_start3A_562 = arith.constant 0 : i32
        %dma_start3A_563 = arith.constant 0 : i32
        %dma_start3A_564 = tpu.memref_slice %arg4[%select_n3A_492, %dma_start3A_561, %mul3A_510, %dma_start3A_562, %dma_start3A_563] : memref<200x4x128x8x128xf32, #tpu.memory_space<hbm>> -> memref<1x4x4x8x128xf32, #tpu.memory_space<hbm>>
        %dma_start3A_565 = tpu.memref_squeeze %dma_start3A_564 : memref<1x4x4x8x128xf32, #tpu.memory_space<hbm>> -> memref<4x4x8x128xf32, #tpu.memory_space<hbm>>
        %dma_start3A_566 = arith.constant 0 : i32
        %dma_start3A_567 = arith.constant 0 : i32
        %dma_start3A_568 = arith.constant 0 : i32
        %dma_start3A_569 = arith.constant 0 : i32
        %dma_start3A_570 = tpu.memref_slice %arg9[%dma_start3A_566, %dma_start3A_567, %dma_start3A_568, %dma_start3A_569] : memref<4x4x8x129xf32, #tpu.memory_space<vmem>> -> memref<4x4x8x128xf32, #tpu.memory_space<vmem>>
        tpu.enqueue_dma source(%dma_start3A_570 : memref<4x4x8x128xf32, #tpu.memory_space<vmem>>) target(%dma_start3A_565 : memref<4x4x8x128xf32, #tpu.memory_space<hbm>>) target_semaphore(%arg15 : memref<!tpu.dma_semaphore, #tpu.memory_space<semaphore_mem>>)
      } else {
      }
      %add3A_388 = arith.constant 1 : i32
      %add3A_389 = arith.addi %add3A_374, %add3A_388 : i32
      %lt3A_390 = arith.constant 200 : i32
      %lt3A_391 = arith.cmpi slt, %add3A_389, %lt3A_390 : i32
      %convert_element_type3A_392 = arith.extui %lt3A_391 : i1 to i32
      %cond3A_393 = arith.constant 0 : i32
      %cond3A_394 = arith.cmpi ne, %convert_element_type3A_392, %cond3A_393 : i32
      scf.if %cond3A_394 {
        %add3A_395 = arith.constant 1 : i32
        %add3A_396 = arith.addi %add3A_374, %add3A_395 : i32
        %add3A_397 = arith.addi %mul3A_2, %add3A_396 : i32
        %jit3A_398 = arith.constant 32 : i32
        %div3A_399 = arith.divsi %add3A_397, %jit3A_398 : i32
        %sign3A_400 = arith.constant 0 : i32
        %sign3A_401 = arith.cmpi sgt, %add3A_397, %sign3A_400 : i32
        %sign3A_402 = arith.extui %sign3A_401 : i1 to i32
        %sign3A_403 = arith.constant 0 : i32
        %sign3A_404 = arith.cmpi slt, %add3A_397, %sign3A_403 : i32
        %sign3A_405 = arith.extui %sign3A_404 : i1 to i32
        %sign3A_406 = arith.subi %sign3A_402, %sign3A_405 : i32
        %sign3A_407 = arith.constant 0 : i32
        %sign3A_408 = arith.cmpi sgt, %jit3A_398, %sign3A_407 : i32
        %sign3A_409 = arith.extui %sign3A_408 : i1 to i32
        %sign3A_410 = arith.constant 0 : i32
        %sign3A_411 = arith.cmpi slt, %jit3A_398, %sign3A_410 : i32
        %sign3A_412 = arith.extui %sign3A_411 : i1 to i32
        %sign3A_413 = arith.subi %sign3A_409, %sign3A_412 : i32
        %ne3A_414 = arith.cmpi ne, %sign3A_406, %sign3A_413 : i32
        %rem3A_415 = arith.remsi %add3A_397, %jit3A_398 : i32
        %ne3A_416 = arith.constant 0 : i32
        %ne3A_417 = arith.cmpi ne, %rem3A_415, %ne3A_416 : i32
        %and3A_418 = arith.andi %ne3A_414, %ne3A_417 : i1
        %sub3A_419 = arith.constant 1 : i32
        %sub3A_420 = arith.subi %div3A_399, %sub3A_419 : i32
        %select_n3A_421 = arith.select %and3A_418, %sub3A_420, %div3A_399 : i32
        %jit3A_422 = arith.constant 32 : i32
        %eq3A_423 = arith.constant 0 : i32
        %eq3A_424 = arith.cmpi eq, %jit3A_422, %eq3A_423 : i32
        %jit3A_425 = arith.constant 1 : i32
        %select_n3A_426 = arith.select %eq3A_424, %jit3A_425, %jit3A_422 : i32
        %rem3A_427 = arith.remsi %add3A_397, %select_n3A_426 : i32
        %ne3A_428 = arith.constant 0 : i32
        %ne3A_429 = arith.cmpi ne, %rem3A_427, %ne3A_428 : i32
        %lt3A_430 = arith.constant 0 : i32
        %lt3A_431 = arith.cmpi slt, %rem3A_427, %lt3A_430 : i32
        %lt3A_432 = arith.constant 0 : i32
        %lt3A_433 = arith.cmpi slt, %select_n3A_426, %lt3A_432 : i32
        %ne3A_434 = arith.xori %lt3A_431, %lt3A_433 : i1
        %and3A_435 = arith.andi %ne3A_434, %ne3A_429 : i1
        %add3A_436 = arith.addi %rem3A_427, %select_n3A_426 : i32
        %select_n3A_437 = arith.select %and3A_435, %add3A_436, %rem3A_427 : i32
        %mul3A_438 = arith.constant 4 : i32
        %mul3A_439 = arith.muli %select_n3A_437, %mul3A_438 : i32
        %jit3A_440 = arith.constant 8 : i32
        %div3A_441 = arith.divsi %select_n3A_421, %jit3A_440 : i32
        %sign3A_442 = arith.constant 0 : i32
        %sign3A_443 = arith.cmpi sgt, %select_n3A_421, %sign3A_442 : i32
        %sign3A_444 = arith.extui %sign3A_443 : i1 to i32
        %sign3A_445 = arith.constant 0 : i32
        %sign3A_446 = arith.cmpi slt, %select_n3A_421, %sign3A_445 : i32
        %sign3A_447 = arith.extui %sign3A_446 : i1 to i32
        %sign3A_448 = arith.subi %sign3A_444, %sign3A_447 : i32
        %sign3A_449 = arith.constant 0 : i32
        %sign3A_450 = arith.cmpi sgt, %jit3A_440, %sign3A_449 : i32
        %sign3A_451 = arith.extui %sign3A_450 : i1 to i32
        %sign3A_452 = arith.constant 0 : i32
        %sign3A_453 = arith.cmpi slt, %jit3A_440, %sign3A_452 : i32
        %sign3A_454 = arith.extui %sign3A_453 : i1 to i32
        %sign3A_455 = arith.subi %sign3A_451, %sign3A_454 : i32
        %ne3A_456 = arith.cmpi ne, %sign3A_448, %sign3A_455 : i32
        %rem3A_457 = arith.remsi %select_n3A_421, %jit3A_440 : i32
        %ne3A_458 = arith.constant 0 : i32
        %ne3A_459 = arith.cmpi ne, %rem3A_457, %ne3A_458 : i32
        %and3A_460 = arith.andi %ne3A_456, %ne3A_459 : i1
        %sub3A_461 = arith.constant 1 : i32
        %sub3A_462 = arith.subi %div3A_441, %sub3A_461 : i32
        %select_n3A_463 = arith.select %and3A_460, %sub3A_462, %div3A_441 : i32
        %jit3A_464 = arith.constant 8 : i32
        %eq3A_465 = arith.constant 0 : i32
        %eq3A_466 = arith.cmpi eq, %jit3A_464, %eq3A_465 : i32
        %jit3A_467 = arith.constant 1 : i32
        %select_n3A_468 = arith.select %eq3A_466, %jit3A_467, %jit3A_464 : i32
        %rem3A_469 = arith.remsi %select_n3A_421, %select_n3A_468 : i32
        %ne3A_470 = arith.constant 0 : i32
        %ne3A_471 = arith.cmpi ne, %rem3A_469, %ne3A_470 : i32
        %lt3A_472 = arith.constant 0 : i32
        %lt3A_473 = arith.cmpi slt, %rem3A_469, %lt3A_472 : i32
        %lt3A_474 = arith.constant 0 : i32
        %lt3A_475 = arith.cmpi slt, %select_n3A_468, %lt3A_474 : i32
        %ne3A_476 = arith.xori %lt3A_473, %lt3A_475 : i1
        %and3A_477 = arith.andi %ne3A_476, %ne3A_471 : i1
        %add3A_478 = arith.addi %rem3A_469, %select_n3A_468 : i32
        %select_n3A_479 = arith.select %and3A_477, %add3A_478, %rem3A_469 : i32
        %dma_start3A_480 = arith.constant 0 : i32
        %dma_start3A_481 = tpu.memref_slice %arg2[%select_n3A_463, %mul3A_439, %select_n3A_479, %dma_start3A_480] : memref<25x128x8x128xi32, #tpu.memory_space<hbm>> -> memref<1x4x1x128xi32, #tpu.memory_space<hbm>>
        %dma_start3A_482 = tpu.memref_squeeze %dma_start3A_481 : memref<1x4x1x128xi32, #tpu.memory_space<hbm>> -> memref<4x128xi32, #tpu.memory_space<hbm>>
        %dma_start3A_483 = arith.constant 0 : i32
        %dma_start3A_484 = tpu.memref_slice %arg2[%select_n3A_463, %mul3A_439, %select_n3A_479, %dma_start3A_483] : memref<25x128x8x128xi32, #tpu.memory_space<hbm>> -> memref<1x4x1x128xi32, #tpu.memory_space<hbm>>
        %dma_start3A_485 = tpu.memref_squeeze %dma_start3A_484 : memref<1x4x1x128xi32, #tpu.memory_space<hbm>> -> memref<4x128xi32, #tpu.memory_space<hbm>>
        tpu.enqueue_dma source(%dma_start3A_485 : memref<4x128xi32, #tpu.memory_space<hbm>>) target(%arg5 : memref<4x128xi32, #tpu.memory_space<vmem>>) target_semaphore(%arg11 : memref<!tpu.dma_semaphore, #tpu.memory_space<semaphore_mem>>)
      } else {
      }
    }
    %scan3A_142 = arith.constant 101 : i32
    %add3A_143 = arith.constant 198 : i32
    %add3A_144 = arith.addi %mul3A_2, %add3A_143 : i32
    %jit3A_145 = arith.constant 32 : i32
    %div3A_146 = arith.divsi %add3A_144, %jit3A_145 : i32
    %sign3A_147 = arith.constant 0 : i32
    %sign3A_148 = arith.cmpi sgt, %add3A_144, %sign3A_147 : i32
    %sign3A_149 = arith.extui %sign3A_148 : i1 to i32
    %sign3A_150 = arith.constant 0 : i32
    %sign3A_151 = arith.cmpi slt, %add3A_144, %sign3A_150 : i32
    %sign3A_152 = arith.extui %sign3A_151 : i1 to i32
    %sign3A_153 = arith.subi %sign3A_149, %sign3A_152 : i32
    %sign3A_154 = arith.constant 0 : i32
    %sign3A_155 = arith.cmpi sgt, %jit3A_145, %sign3A_154 : i32
    %sign3A_156 = arith.extui %sign3A_155 : i1 to i32
    %sign3A_157 = arith.constant 0 : i32
    %sign3A_158 = arith.cmpi slt, %jit3A_145, %sign3A_157 : i32
    %sign3A_159 = arith.extui %sign3A_158 : i1 to i32
    %sign3A_160 = arith.subi %sign3A_156, %sign3A_159 : i32
    %ne3A_161 = arith.cmpi ne, %sign3A_153, %sign3A_160 : i32
    %rem3A_162 = arith.remsi %add3A_144, %jit3A_145 : i32
    %ne3A_163 = arith.constant 0 : i32
    %ne3A_164 = arith.cmpi ne, %rem3A_162, %ne3A_163 : i32
    %and3A_165 = arith.andi %ne3A_161, %ne3A_164 : i1
    %sub3A_166 = arith.constant 1 : i32
    %sub3A_167 = arith.subi %div3A_146, %sub3A_166 : i32
    %select_n3A_168 = arith.select %and3A_165, %sub3A_167, %div3A_146 : i32
    %jit3A_169 = arith.constant 32 : i32
    %eq3A_170 = arith.constant 0 : i32
    %eq3A_171 = arith.cmpi eq, %jit3A_169, %eq3A_170 : i32
    %jit3A_172 = arith.constant 1 : i32
    %select_n3A_173 = arith.select %eq3A_171, %jit3A_172, %jit3A_169 : i32
    %rem3A_174 = arith.remsi %add3A_144, %select_n3A_173 : i32
    %ne3A_175 = arith.constant 0 : i32
    %ne3A_176 = arith.cmpi ne, %rem3A_174, %ne3A_175 : i32
    %lt3A_177 = arith.constant 0 : i32
    %lt3A_178 = arith.cmpi slt, %rem3A_174, %lt3A_177 : i32
    %lt3A_179 = arith.constant 0 : i32
    %lt3A_180 = arith.cmpi slt, %select_n3A_173, %lt3A_179 : i32
    %ne3A_181 = arith.xori %lt3A_178, %lt3A_180 : i1
    %and3A_182 = arith.andi %ne3A_181, %ne3A_176 : i1
    %add3A_183 = arith.addi %rem3A_174, %select_n3A_173 : i32
    %select_n3A_184 = arith.select %and3A_182, %add3A_183, %rem3A_174 : i32
    %mul3A_185 = arith.constant 4 : i32
    %mul3A_186 = arith.muli %select_n3A_184, %mul3A_185 : i32
    %jit3A_187 = arith.constant 8 : i32
    %div3A_188 = arith.divsi %select_n3A_168, %jit3A_187 : i32
    %sign3A_189 = arith.constant 0 : i32
    %sign3A_190 = arith.cmpi sgt, %select_n3A_168, %sign3A_189 : i32
    %sign3A_191 = arith.extui %sign3A_190 : i1 to i32
    %sign3A_192 = arith.constant 0 : i32
    %sign3A_193 = arith.cmpi slt, %select_n3A_168, %sign3A_192 : i32
    %sign3A_194 = arith.extui %sign3A_193 : i1 to i32
    %sign3A_195 = arith.subi %sign3A_191, %sign3A_194 : i32
    %sign3A_196 = arith.constant 0 : i32
    %sign3A_197 = arith.cmpi sgt, %jit3A_187, %sign3A_196 : i32
    %sign3A_198 = arith.extui %sign3A_197 : i1 to i32
    %sign3A_199 = arith.constant 0 : i32
    %sign3A_200 = arith.cmpi slt, %jit3A_187, %sign3A_199 : i32
    %sign3A_201 = arith.extui %sign3A_200 : i1 to i32
    %sign3A_202 = arith.subi %sign3A_198, %sign3A_201 : i32
    %ne3A_203 = arith.cmpi ne, %sign3A_195, %sign3A_202 : i32
    %rem3A_204 = arith.remsi %select_n3A_168, %jit3A_187 : i32
    %ne3A_205 = arith.constant 0 : i32
    %ne3A_206 = arith.cmpi ne, %rem3A_204, %ne3A_205 : i32
    %and3A_207 = arith.andi %ne3A_203, %ne3A_206 : i1
    %sub3A_208 = arith.constant 1 : i32
    %sub3A_209 = arith.subi %div3A_188, %sub3A_208 : i32
    %select_n3A_210 = arith.select %and3A_207, %sub3A_209, %div3A_188 : i32
    %jit3A_211 = arith.constant 8 : i32
    %eq3A_212 = arith.constant 0 : i32
    %eq3A_213 = arith.cmpi eq, %jit3A_211, %eq3A_212 : i32
    %jit3A_214 = arith.constant 1 : i32
    %select_n3A_215 = arith.select %eq3A_213, %jit3A_214, %jit3A_211 : i32
    %rem3A_216 = arith.remsi %select_n3A_168, %select_n3A_215 : i32
    %ne3A_217 = arith.constant 0 : i32
    %ne3A_218 = arith.cmpi ne, %rem3A_216, %ne3A_217 : i32
    %lt3A_219 = arith.constant 0 : i32
    %lt3A_220 = arith.cmpi slt, %rem3A_216, %lt3A_219 : i32
    %lt3A_221 = arith.constant 0 : i32
    %lt3A_222 = arith.cmpi slt, %select_n3A_215, %lt3A_221 : i32
    %ne3A_223 = arith.xori %lt3A_220, %lt3A_222 : i1
    %and3A_224 = arith.andi %ne3A_223, %ne3A_218 : i1
    %add3A_225 = arith.addi %rem3A_216, %select_n3A_215 : i32
    %select_n3A_226 = arith.select %and3A_224, %add3A_225, %rem3A_216 : i32
    %dma_wait3A = arith.constant 0 : i32
    %dma_wait3A_227 = arith.constant 0 : i32
    %dma_wait3A_228 = arith.constant 0 : i32
    %dma_wait3A_229 = arith.constant 0 : i32
    %dma_wait3A_230 = tpu.memref_slice %arg9[%dma_wait3A, %dma_wait3A_227, %dma_wait3A_228, %dma_wait3A_229] : memref<4x4x8x129xf32, #tpu.memory_space<vmem>> -> memref<4x4x8x128xf32, #tpu.memory_space<vmem>>
    %dma_wait3A_231 = arith.constant 0 : i32
    %dma_wait3A_232 = arith.constant 0 : i32
    %dma_wait3A_233 = arith.constant 0 : i32
    %dma_wait3A_234 = tpu.memref_slice %arg4[%select_n3A_168, %dma_wait3A_231, %mul3A_186, %dma_wait3A_232, %dma_wait3A_233] : memref<200x4x128x8x128xf32, #tpu.memory_space<hbm>> -> memref<1x4x4x8x128xf32, #tpu.memory_space<hbm>>
    %dma_wait3A_235 = tpu.memref_squeeze %dma_wait3A_234 : memref<1x4x4x8x128xf32, #tpu.memory_space<hbm>> -> memref<4x4x8x128xf32, #tpu.memory_space<hbm>>
    %dma_wait3A_236 = arith.constant 0 : i32
    %dma_wait3A_237 = arith.constant 0 : i32
    %dma_wait3A_238 = arith.constant 0 : i32
    %dma_wait3A_239 = tpu.memref_slice %arg4[%select_n3A_168, %dma_wait3A_236, %mul3A_186, %dma_wait3A_237, %dma_wait3A_238] : memref<200x4x128x8x128xf32, #tpu.memory_space<hbm>> -> memref<1x4x4x8x128xf32, #tpu.memory_space<hbm>>
    %dma_wait3A_240 = tpu.memref_squeeze %dma_wait3A_239 : memref<1x4x4x8x128xf32, #tpu.memory_space<hbm>> -> memref<4x4x8x128xf32, #tpu.memory_space<hbm>>
    %dma_wait3A_241 = arith.constant 0 : i32
    %dma_wait3A_242 = arith.constant 0 : i32
    %dma_wait3A_243 = arith.constant 0 : i32
    %dma_wait3A_244 = arith.constant 0 : i32
    %dma_wait3A_245 = tpu.memref_slice %arg9[%dma_wait3A_241, %dma_wait3A_242, %dma_wait3A_243, %dma_wait3A_244] : memref<4x4x8x129xf32, #tpu.memory_space<vmem>> -> memref<4x4x8x128xf32, #tpu.memory_space<vmem>>
    tpu.wait_dma2 semaphore(%arg15 : memref<!tpu.dma_semaphore, #tpu.memory_space<semaphore_mem>>) src(%dma_wait3A_245 : memref<4x4x8x128xf32, #tpu.memory_space<vmem>>) dst(%dma_wait3A_240 : memref<4x4x8x128xf32, #tpu.memory_space<hbm>>)
    %add3A_246 = arith.constant 199 : i32
    %add3A_247 = arith.addi %mul3A_2, %add3A_246 : i32
    %jit3A_248 = arith.constant 32 : i32
    %div3A_249 = arith.divsi %add3A_247, %jit3A_248 : i32
    %sign3A_250 = arith.constant 0 : i32
    %sign3A_251 = arith.cmpi sgt, %add3A_247, %sign3A_250 : i32
    %sign3A_252 = arith.extui %sign3A_251 : i1 to i32
    %sign3A_253 = arith.constant 0 : i32
    %sign3A_254 = arith.cmpi slt, %add3A_247, %sign3A_253 : i32
    %sign3A_255 = arith.extui %sign3A_254 : i1 to i32
    %sign3A_256 = arith.subi %sign3A_252, %sign3A_255 : i32
    %sign3A_257 = arith.constant 0 : i32
    %sign3A_258 = arith.cmpi sgt, %jit3A_248, %sign3A_257 : i32
    %sign3A_259 = arith.extui %sign3A_258 : i1 to i32
    %sign3A_260 = arith.constant 0 : i32
    %sign3A_261 = arith.cmpi slt, %jit3A_248, %sign3A_260 : i32
    %sign3A_262 = arith.extui %sign3A_261 : i1 to i32
    %sign3A_263 = arith.subi %sign3A_259, %sign3A_262 : i32
    %ne3A_264 = arith.cmpi ne, %sign3A_256, %sign3A_263 : i32
    %rem3A_265 = arith.remsi %add3A_247, %jit3A_248 : i32
    %ne3A_266 = arith.constant 0 : i32
    %ne3A_267 = arith.cmpi ne, %rem3A_265, %ne3A_266 : i32
    %and3A_268 = arith.andi %ne3A_264, %ne3A_267 : i1
    %sub3A_269 = arith.constant 1 : i32
    %sub3A_270 = arith.subi %div3A_249, %sub3A_269 : i32
    %select_n3A_271 = arith.select %and3A_268, %sub3A_270, %div3A_249 : i32
    %jit3A_272 = arith.constant 32 : i32
    %eq3A_273 = arith.constant 0 : i32
    %eq3A_274 = arith.cmpi eq, %jit3A_272, %eq3A_273 : i32
    %jit3A_275 = arith.constant 1 : i32
    %select_n3A_276 = arith.select %eq3A_274, %jit3A_275, %jit3A_272 : i32
    %rem3A_277 = arith.remsi %add3A_247, %select_n3A_276 : i32
    %ne3A_278 = arith.constant 0 : i32
    %ne3A_279 = arith.cmpi ne, %rem3A_277, %ne3A_278 : i32
    %lt3A_280 = arith.constant 0 : i32
    %lt3A_281 = arith.cmpi slt, %rem3A_277, %lt3A_280 : i32
    %lt3A_282 = arith.constant 0 : i32
    %lt3A_283 = arith.cmpi slt, %select_n3A_276, %lt3A_282 : i32
    %ne3A_284 = arith.xori %lt3A_281, %lt3A_283 : i1
    %and3A_285 = arith.andi %ne3A_284, %ne3A_279 : i1
    %add3A_286 = arith.addi %rem3A_277, %select_n3A_276 : i32
    %select_n3A_287 = arith.select %and3A_285, %add3A_286, %rem3A_277 : i32
    %mul3A_288 = arith.constant 4 : i32
    %mul3A_289 = arith.muli %select_n3A_287, %mul3A_288 : i32
    %jit3A_290 = arith.constant 8 : i32
    %div3A_291 = arith.divsi %select_n3A_271, %jit3A_290 : i32
    %sign3A_292 = arith.constant 0 : i32
    %sign3A_293 = arith.cmpi sgt, %select_n3A_271, %sign3A_292 : i32
    %sign3A_294 = arith.extui %sign3A_293 : i1 to i32
    %sign3A_295 = arith.constant 0 : i32
    %sign3A_296 = arith.cmpi slt, %select_n3A_271, %sign3A_295 : i32
    %sign3A_297 = arith.extui %sign3A_296 : i1 to i32
    %sign3A_298 = arith.subi %sign3A_294, %sign3A_297 : i32
    %sign3A_299 = arith.constant 0 : i32
    %sign3A_300 = arith.cmpi sgt, %jit3A_290, %sign3A_299 : i32
    %sign3A_301 = arith.extui %sign3A_300 : i1 to i32
    %sign3A_302 = arith.constant 0 : i32
    %sign3A_303 = arith.cmpi slt, %jit3A_290, %sign3A_302 : i32
    %sign3A_304 = arith.extui %sign3A_303 : i1 to i32
    %sign3A_305 = arith.subi %sign3A_301, %sign3A_304 : i32
    %ne3A_306 = arith.cmpi ne, %sign3A_298, %sign3A_305 : i32
    %rem3A_307 = arith.remsi %select_n3A_271, %jit3A_290 : i32
    %ne3A_308 = arith.constant 0 : i32
    %ne3A_309 = arith.cmpi ne, %rem3A_307, %ne3A_308 : i32
    %and3A_310 = arith.andi %ne3A_306, %ne3A_309 : i1
    %sub3A_311 = arith.constant 1 : i32
    %sub3A_312 = arith.subi %div3A_291, %sub3A_311 : i32
    %select_n3A_313 = arith.select %and3A_310, %sub3A_312, %div3A_291 : i32
    %jit3A_314 = arith.constant 8 : i32
    %eq3A_315 = arith.constant 0 : i32
    %eq3A_316 = arith.cmpi eq, %jit3A_314, %eq3A_315 : i32
    %jit3A_317 = arith.constant 1 : i32
    %select_n3A_318 = arith.select %eq3A_316, %jit3A_317, %jit3A_314 : i32
    %rem3A_319 = arith.remsi %select_n3A_271, %select_n3A_318 : i32
    %ne3A_320 = arith.constant 0 : i32
    %ne3A_321 = arith.cmpi ne, %rem3A_319, %ne3A_320 : i32
    %lt3A_322 = arith.constant 0 : i32
    %lt3A_323 = arith.cmpi slt, %rem3A_319, %lt3A_322 : i32
    %lt3A_324 = arith.constant 0 : i32
    %lt3A_325 = arith.cmpi slt, %select_n3A_318, %lt3A_324 : i32
    %ne3A_326 = arith.xori %lt3A_323, %lt3A_325 : i1
    %and3A_327 = arith.andi %ne3A_326, %ne3A_321 : i1
    %add3A_328 = arith.addi %rem3A_319, %select_n3A_318 : i32
    %select_n3A_329 = arith.select %and3A_327, %add3A_328, %rem3A_319 : i32
    %dma_wait3A_330 = arith.constant 0 : i32
    %dma_wait3A_331 = arith.constant 0 : i32
    %dma_wait3A_332 = arith.constant 0 : i32
    %dma_wait3A_333 = arith.constant 0 : i32
    %dma_wait3A_334 = tpu.memref_slice %arg10[%dma_wait3A_330, %dma_wait3A_331, %dma_wait3A_332, %dma_wait3A_333] : memref<4x4x8x129xf32, #tpu.memory_space<vmem>> -> memref<4x4x8x128xf32, #tpu.memory_space<vmem>>
    %dma_wait3A_335 = arith.constant 0 : i32
    %dma_wait3A_336 = arith.constant 0 : i32
    %dma_wait3A_337 = arith.constant 0 : i32
    %dma_wait3A_338 = tpu.memref_slice %arg4[%select_n3A_271, %dma_wait3A_335, %mul3A_289, %dma_wait3A_336, %dma_wait3A_337] : memref<200x4x128x8x128xf32, #tpu.memory_space<hbm>> -> memref<1x4x4x8x128xf32, #tpu.memory_space<hbm>>
    %dma_wait3A_339 = tpu.memref_squeeze %dma_wait3A_338 : memref<1x4x4x8x128xf32, #tpu.memory_space<hbm>> -> memref<4x4x8x128xf32, #tpu.memory_space<hbm>>
    %dma_wait3A_340 = arith.constant 0 : i32
    %dma_wait3A_341 = arith.constant 0 : i32
    %dma_wait3A_342 = arith.constant 0 : i32
    %dma_wait3A_343 = tpu.memref_slice %arg4[%select_n3A_271, %dma_wait3A_340, %mul3A_289, %dma_wait3A_341, %dma_wait3A_342] : memref<200x4x128x8x128xf32, #tpu.memory_space<hbm>> -> memref<1x4x4x8x128xf32, #tpu.memory_space<hbm>>
    %dma_wait3A_344 = tpu.memref_squeeze %dma_wait3A_343 : memref<1x4x4x8x128xf32, #tpu.memory_space<hbm>> -> memref<4x4x8x128xf32, #tpu.memory_space<hbm>>
    %dma_wait3A_345 = arith.constant 0 : i32
    %dma_wait3A_346 = arith.constant 0 : i32
    %dma_wait3A_347 = arith.constant 0 : i32
    %dma_wait3A_348 = arith.constant 0 : i32
    %dma_wait3A_349 = tpu.memref_slice %arg10[%dma_wait3A_345, %dma_wait3A_346, %dma_wait3A_347, %dma_wait3A_348] : memref<4x4x8x129xf32, #tpu.memory_space<vmem>> -> memref<4x4x8x128xf32, #tpu.memory_space<vmem>>
    tpu.wait_dma2 semaphore(%arg16 : memref<!tpu.dma_semaphore, #tpu.memory_space<semaphore_mem>>) src(%dma_wait3A_349 : memref<4x4x8x128xf32, #tpu.memory_space<vmem>>) dst(%dma_wait3A_344 : memref<4x4x8x128xf32, #tpu.memory_space<hbm>>)
    return
  }
}

</mosaic_0001>

<sc_bundles>
// kernel: kernel.3.cloned.1.call-start
scs
__scs_entry_jumppad:
0x0: {  	(pc) =	sbr.rel $0x88, $3  }
0x1: {  	(tag) =	ssettag $0x0;
	lr =	simm.s32 $0x1  }
0x2: {  	[smem:$0x3F9F] =	sst lr;
	_ =	strace $0xD0000000  }
0x3: {  	_ = 	snop  }
0x4: {  	_ = 	snop  }
0x5: {  	_ = 	snop  }
0x6: {  	_ = 	snop  }
0x7: {  	_ = 	snop  }
__scs_overlays_trampoline_lowered:
0x8: {  	[smem:$0x3FAE] =	sst s0  }
0x9: {  	[smem:$0x3FAF] =	sst s1  }
0xa: {  	[smem:$0x3FB0] =	sst s2  }
0xb: {  	[smem:$0x3FB1] =	sst s3  }
0xc: {  	[smem:$0x3FB2] =	sst s4  }
0xd: {  	[smem:$0x3FB3] =	sst s5  }
0xe: {  	[smem:$0x3FB4] =	sst s6  }
0xf: {  	[smem:$0x3FB5] =	sst s7  }
0x10: {  	[smem:$0x3FB6] =	sst s8  }
0x11: {  	[smem:$0x3FB7] =	sst s9;
	s0 =	simm.s32 @!p0 $0x0  }
0x12: {  	s1 =	sld [smem:$0x3F9D];
	s0 =	simm.s32 @p0 $0x1  }
0x13: {  	[smem:$0x3FB8] =	sst s0;
	s0 =	simm.s32 @!p1 $0x0  }
0x14: {  	s2 =	sld [smem:$0x3F9C];
	s0 =	simm.s32 @p1 $0x1  }
0x15: {  	[smem:$0x3FB9] =	sst s0;
	s0 =	simm.s32 @!p2 $0x0  }
0x16: {  	s3 =	sld [smem:$0x3FDB];
	s0 =	simm.s32 @p2 $0x1  }
0x17: {  	s4 =	simm.s32 $0x1BF5;
	[smem:$0x3FBB] =	sst s0  }
0x18: {  	s0 =	sld [smem:$0x3F9E];
	_ =	swait.ge [sflag:s4], $0x0  }
0x19: {  	s7 =	sld [smem:$0x3F9F]  }
0x1a: {  	s8 =	sadd.s32 $0xFFFFE003, lr  }
0x1b: {  	s9 =	sadd.s32 $0xFFFFFEF7, lr;
	s5 =	simm.s32 $0xFFFFFFFF;
	p2 =	slt.u32 s8, $0xFFFFF086  }
0x1c: {  	p1 =	slt.u32 s9, $0xF7A;
	s5 =	simm.s32 @!p2 $0x0  }
0x1d: {  	s5 =	simm.s32 @p1 $0x1;
	p0 =	seq.s32 s7, s2  }
0x1e: {  	s7 =	smul.u32 @!p0 $0xF7A, s2;
	p2 =	seq.s32 @!p0 s5, $0x0  }
0x1f: {  	s9 =	smul.u32 $0xF7A, s1;
	s8 =	simm.s32 @!p0 $0x1BF5;
	p2 =	por !p2, p0  }
0x20: {  	[sflag:s8] =	ssyncset.s32 @!p0 $0xFFFFF086;
	s6 =	sadd.s32 @!p0 s3, s7;
	s7 =	simm.s32 @!p0 $0x108  }
0x21: {  	s3 =	sadd.s32 s3, s9;
	s6 =	sadd.s32 @!p0 $0x88, s6;
	s7 =	simm.s32 @p2 $0x1082  }
0x22: {  	[simem:s7], [sflag:s8] =	dma.local @!p0 [hbm:s6], $0xF7A  }
0x23: {  	s9 =	sor.u32 $0xD0000000, s2;
	s6 =	simm.s32 $0x108;
	_ =	swait.ge @!p0 [sflag:s8], $0x0  }
0x24: {  	s3 =	sadd.s32 $0x88, s3;
	s6 =	simm.s32 @!p1 $0x1082;
	[sflag:s4] =	ssyncset.s32 $0xFFFFF086  }
0x25: {  	[simem:s6], [sflag:s4] =	dma.local [hbm:s3], $0xF7A  }
0x26: {  	[smem:$0x3F9F] =	sst s1;
	(tag) =	ssettag s2;
	_ =	strace s9  }
0x27: {  	s1 =	sld [smem:$0x3FAF]  }
0x28: {  	s2 =	sld [smem:$0x3FB0]  }
0x29: {  	s4 =	sld [smem:$0x3FB2]  }
0x2a: {  	p0 =	seq.s32 s5, $0x0;
	s5 =	sld [smem:$0x3FB3]  }
0x2b: {  	s6 =	sld [smem:$0x3FB4]  }
0x2c: {  	s7 =	sld [smem:$0x3FB5]  }
0x2d: {  	s3 =	simm.s32 $0x108;
	s8 =	sld [smem:$0x3FB6]  }
0x2e: {  	s3 =	simm.s32 @!p0 $0x1082;
	s9 =	sld [smem:$0x3FB7]  }
0x2f: {  	lr =	sadd.s32 s0, s3;
	s0 =	sld [smem:$0x3FAE]  }
0x30: {  	s3 =	sld [smem:$0x3FB1]  }
0x31: {  	[smem:$0x3FBA] =	sst s10  }
0x32: {  	s10 =	sld [smem:$0x3FB8];
	_ =	sdelay $0x3  }
0x33: {  	p0 =	seq.s32 s10, $0x1;
	s10 =	sld [smem:$0x3FBA];
	_ =	sdelay $0x3  }
0x34: {  	[smem:$0x3FBA] =	sst s10  }
0x35: {  	s10 =	sld [smem:$0x3FB9];
	_ =	sdelay $0x3  }
0x36: {  	p1 =	seq.s32 s10, $0x1;
	s10 =	sld [smem:$0x3FBA];
	_ =	sdelay $0x3  }
0x37: {  	[smem:$0x3FBA] =	sst s10  }
0x38: {  	s10 =	sld [smem:$0x3FBB]  }
0x39: {  	_ = 	snop;
	(pc) =	sbr.ind lr, $3  }
0x3a: {  	_ = 	snop  }
0x3b: {  	_ = 	snop  }
0x3c: {  	p2 =	seq.s32 s10, $0x1;
	s10 =	sld [smem:$0x3FBA]  }
0x3d: {  	_ =	shalt  }
0x3e: {  	_ =	shalt  }
0x3f: {  	_ =	shalt  }
0x40: {  	_ =	shalt  }
0x41: {  	_ =	shalt  }
0x42: {  	_ =	shalt  }
0x43: {  	_ =	shalt  }
0x44: {  	_ =	shalt  }
0x45: {  	_ =	shalt  }
0x46: {  	_ =	shalt  }
0x47: {  	_ =	shalt  }
0x48: {  	_ =	shalt  }
0x49: {  	_ =	shalt  }
0x4a: {  	_ =	shalt  }
0x4b: {  	_ =	shalt  }
0x4c: {  	_ =	shalt  }
0x4d: {  	_ =	shalt  }
0x4e: {  	_ =	shalt  }
0x4f: {  	_ =	shalt  }
0x50: {  	_ =	shalt  }
0x51: {  	_ =	shalt  }
0x52: {  	_ =	shalt  }
0x53: {  	_ =	shalt  }
0x54: {  	_ =	shalt  }
0x55: {  	_ =	shalt  }
0x56: {  	_ =	shalt  }
0x57: {  	_ =	shalt  }
0x58: {  	_ =	shalt  }
0x59: {  	_ =	shalt  }
0x5a: {  	_ =	shalt  }
0x5b: {  	_ =	shalt  }
0x5c: {  	_ =	shalt  }
0x5d: {  	_ =	shalt  }
0x5e: {  	_ =	shalt  }
0x5f: {  	_ =	shalt  }
0x60: {  	_ =	shalt  }
0x61: {  	_ =	shalt  }
0x62: {  	_ =	shalt  }
0x63: {  	_ =	shalt  }
0x64: {  	_ =	shalt  }
0x65: {  	_ =	shalt  }
0x66: {  	_ =	shalt  }
0x67: {  	_ =	shalt  }
0x68: {  	_ =	shalt  }
0x69: {  	_ =	shalt  }
0x6a: {  	_ =	shalt  }
0x6b: {  	_ =	shalt  }
0x6c: {  	_ =	shalt  }
0x6d: {  	_ =	shalt  }
0x6e: {  	_ =	shalt  }
0x6f: {  	_ =	shalt  }
0x70: {  	_ =	shalt  }
0x71: {  	_ =	shalt  }
0x72: {  	_ =	shalt  }
0x73: {  	_ =	shalt  }
0x74: {  	_ =	shalt  }
0x75: {  	_ =	shalt  }
0x76: {  	_ =	shalt  }
0x77: {  	_ =	shalt  }
0x78: {  	_ =	shalt  }
0x79: {  	_ =	shalt  }
0x7a: {  	_ =	shalt  }
0x7b: {  	_ =	shalt  }
0x7c: {  	_ =	shalt  }
0x7d: {  	_ =	shalt  }
0x7e: {  	_ =	shalt  }
0x7f: {  	_ =	shalt  }
0x80: {  	_ =	shalt  }
0x81: {  	_ =	shalt  }
0x82: {  	_ =	shalt  }
0x83: {  	_ =	shalt  }
0x84: {  	_ =	shalt  }
0x85: {  	_ =	shalt  }
0x86: {  	_ =	shalt  }
0x87: {  	_ =	shalt  }
.Lfunc_end0:
.L_simem_size_0:
called_computation_lowered:
.L_overlay_start_0:
0x88: {  	s2 =	sld [smem:$0x3FD9]  }
0x89: {  	s3 =	sld [smem:$0x3FFE];
	_ =	sdelay $0x1  }
0x8a: {  	s1 =	srdreg.scid  }
0x8b: {  	s0 =	sand.u32 $0x1, s1  }
0x8c: {  	s17 =	sshll.u32 s0, $0xA;
	s2 =	sadd.s32 s3, s2  }
0x8d: {  	s2 =	sadd.s32 s2, s17  }
0x8e: {  	[smem:$0x3FC6] =	sst s2  }
0x8f: {  	_ = 	snop  }
0x90: {  	s2 =	sld [smem:$0x3FC9]  }
0x91: {  	s18 =	sld [smem:$0x3FD0];
	(tm) =	ssettm $0x1  }
0x92: {  	s4 =	sld [smem:$0x3FFB];
	_ =	sdelay $0x3  }
0x93: {  	_ =	strace s4  }
0x94: {  	s4 =	sld [smem:$0x3FFC];
	_ =	sdelay $0x3  }
0x95: {  	_ =	strace s4  }
0x96: {  	s4 =	sld [smem:$0x3FFD];
	_ =	sdelay $0x3  }
0x97: {  	_ =	strace s4  }
0x98: {  	_ =	strace $0x8FFFFFFF  }
0x99: {  	s19 =	sld [smem:$0x3FDB];
	_ =	sdelay $0x1  }
0x9a: {  	s5 =	simm.s32 $_scs_section_size  }
0x9b: {  	s6 =	simm.s32 $_size__tile_overlayer_lowered;
	s7 =	simm.s32 $_tile_overlayer_lowered  }
0x9c: {  	s22 =	simm.s32 $0x1BFF;
	s21 =	sshll.u32 s7, $0x1;
	s4 =	sadd.s32 s5, s19  }
0x9d: {  	s8 =	simm.s32 $0x0;
	s20 =	sshll.u32 s6, $0x1;
	s6 =	sadd.s32 s21, s4  }
0x9e: {  	[timem:s8], [sflag:s22] =	dma.local [hbm:s6], s20  }
0x9f: {  	_ =	swait.ge [sflag:s22], s20  }
0xa0: {  	s5 =	ssub.s32 $0x0, s20;
	[sflag:s22] =	ssyncset.done $0x0  }
0xa1: {  	[sflag:s22] =	ssyncadd.s32 s5;
	_ =	sdelay $0x1  }
0xa2: {  	s23 =	simm.s32 $0x1B8B  }
0xa3: {  	_ =	swait.ge [sflag:s23], $0x1  }
0xa4: {  	[sflag:s23] =	ssyncset.done $0x0  }
0xa5: {  	s25 =	simm.s32 $0x1B8E;
	s24 =	sld [smem:$0x3FFE];
	[sflag:s23] =	ssyncadd.s32 $0xFFFFFFFF  }
0xa6: {  	s26 =	simm.s32 $execute0_lowered;
	[smem:$0x3FD2] =	sst s25  }
0xa7: {  	s6 =	sshll.u32 s26, $0x1;
	_ =	strace $0x80000046;
	[dreg:$0x1] =	wrdreg $0xFFFFFFFF  }
0xa8: {  	s28 =	simm.s32 $_size_execute0_lowered;
	s4 =	sadd.s32 s4, s6;
	[dreg:$0x0] =	wrdreg $0x0  }
0xa9: {  	s6 =	sshll.u32 s28, $0x1;
	[dreg:$0x2] =	wrdreg s4  }
0xaa: {  	[dreg:$0x3] =	wrdreg s6  }
0xab: {  	[dreg:$0x4] =	wrdreg $0xC0  }
0xac: {  	_ =	task [dreg:s8], $0x5FFFF  }
0xad: {  	[dreg:$0x1] =	wrdreg $0xFFFFFFFF  }
0xae: {  	[dreg:$0x0] =	wrdreg $0x60  }
0xaf: {  	[dreg:$0x2] =	wrdreg s2  }
0xb0: {  	[dreg:$0x3] =	wrdreg s24  }
0xb1: {  	[dreg:$0x4] =	wrdreg s18  }
0xb2: {  	[dreg:$0x5] =	wrdreg $0x9  }
0xb3: {  	_ =	task.clear_ibuf [dreg:s8], $0x6FFFF;
	_ =	strace $0x90000046  }
0xb4: {  	s29 =	simm.s32 $0x9;
	_ =	strace $0x80000048  }
0xb5: {  	_ =	swait.ge [sflag:s29], $0x1  }
0xb6: {  	[sflag:s29] =	ssyncadd.s32 $0xFFFFFFFF  }
0xb7: {  	_ =	strace $0x90000048  }
0xb8: {  	_ =	sfence  }
0xb9: {  	s30 =	sld [smem:$0x0];
	_ =	sdelay $0x2  }
0xba: {  	s31 =	sshll.u32 s1, $0xD;
	s1 =	sshrl.u32 s1, $0x2  }
0xbb: {  	s3 =	sand.u32 $0x4000, s31;
	s1 =	sadd.s32 s1, s30  }
0xbc: {  	s0 =	sor.u32 s3, s0;
	s1 =	sshll.u32 s1, $0x11  }
0xbd: {  	s0 =	sor.u32 s1, s0  }
0xbe: {  	s0 =	sadd.s32 $0x8F2B, s0  }
0xbf: {  	[sflag:s0] =	ssyncadd.remote.s32 $0x1  }
0xc0: {  	_ =	sfence.sel $0xFFFF  }
0xc1: {  	[dreg:$0x0] =	wrdreg $0xFFFFFFFF;
	(pc) =	sbr.abs _section_cstart, $3  }
0xc2: {  	[dreg:$0x1] =	wrdreg $0xFFFFFFFF  }
0xc3: {  	_ =	task.clear_ibuf [dreg:s8], $0x2FFFF;
	_ =	strace $0x9FFFFFFF  }
0xc4: {  	(tm) =	ssettm $0x7FFFFFFF  }
0xc5: {  	_ =	shalt  }
tec
execute0_lowered:
.L_overlay_start_1:
0x0: {  	(tag) =	ssettag $0x1  }
0x1: {  	v0 =	vimm.s32 $0x14B8;
	vm14 =	vcmask $0x300  }
0x2: {  	v1 =	vimm.s32 $0x36B8;
	vm13 =	vcmask $0x704;
	vm12 =	vcmask $0xB08  }
0x3: {  	vm11 =	vcmask $0xF0C;
	vm10 =	vcmask $0x1310;
	vm9 =	vcmask $0x1714  }
0x4: {  	vm8 =	vcmask $0x1B18;
	vm7 =	vcmask $0x1F1C;
	vm6 =	vcmask $0x2320  }
0x5: {  	vm5 =	vcmask $0x2724;
	vm4 =	vcmask $0x2B28;
	vm3 =	vcmask $0x2F2C  }
0x6: {  	vm2 =	vcmask $0x3330;
	vm1 =	vcmask $0x3734;
	vm0 =	vcmask $0x3B38  }
0x7: {  	v2 =	vimm.s32 $0x18F8;
	v3 =	vimm.s32 $0x3AF8;
	v4 =	vimm.s32 $0x1D38  }
0x8: {  	v5 =	vimm.s32 $0x3F38;
	v6 =	vimm.s32 $0x2178;
	v7 =	vimm.s32 $0x4378  }
0x9: {  	v0 =	vsel vm14, $0x0, v0;
	v1 =	vsel vm14, $0x2200, v1;
	v2 =	vsel vm14, $0x440, v2  }
0xa: {  	v3 =	vsel vm14, $0x2640, v3;
	v4 =	vsel vm14, $0x880, v4;
	v5 =	vsel vm14, $0x2A80, v5  }
0xb: {  	v6 =	vsel vm14, $0xCC0, v6;
	v7 =	vsel vm14, $0x2EC0, v7;
	v0 =	vsel vm13, $0x88, v0  }
0xc: {  	v1 =	vsel vm13, $0x2288, v1;
	v2 =	vsel vm13, $0x4C8, v2;
	v3 =	vsel vm13, $0x26C8, v3  }
0xd: {  	v4 =	vsel vm13, $0x908, v4;
	v5 =	vsel vm13, $0x2B08, v5;
	v6 =	vsel vm13, $0xD48, v6  }
0xe: {  	v7 =	vsel vm13, $0x2F48, v7;
	v0 =	vsel vm12, $0x110, v0;
	v1 =	vsel vm12, $0x2310, v1  }
0xf: {  	v2 =	vsel vm12, $0x550, v2;
	v3 =	vsel vm12, $0x2750, v3;
	v4 =	vsel vm12, $0x990, v4  }
0x10: {  	v5 =	vsel vm12, $0x2B90, v5;
	v6 =	vsel vm12, $0xDD0, v6;
	v7 =	vsel vm12, $0x2FD0, v7  }
0x11: {  	v0 =	vsel vm11, $0x198, v0;
	v1 =	vsel vm11, $0x2398, v1;
	v2 =	vsel vm11, $0x5D8, v2  }
0x12: {  	v3 =	vsel vm11, $0x27D8, v3;
	v4 =	vsel vm11, $0xA18, v4;
	v5 =	vsel vm11, $0x2C18, v5  }
0x13: {  	v6 =	vsel vm11, $0xE58, v6;
	v7 =	vsel vm11, $0x3058, v7;
	v0 =	vsel vm10, $0x220, v0  }
0x14: {  	v1 =	vsel vm10, $0x2420, v1;
	v2 =	vsel vm10, $0x660, v2;
	v3 =	vsel vm10, $0x2860, v3  }
0x15: {  	v4 =	vsel vm10, $0xAA0, v4;
	v5 =	vsel vm10, $0x2CA0, v5;
	v6 =	vsel vm10, $0xEE0, v6  }
0x16: {  	v7 =	vsel vm10, $0x30E0, v7;
	v0 =	vsel vm9, $0x2A8, v0;
	v1 =	vsel vm9, $0x24A8, v1  }
0x17: {  	v2 =	vsel vm9, $0x6E8, v2;
	v3 =	vsel vm9, $0x28E8, v3;
	v4 =	vsel vm9, $0xB28, v4  }
0x18: {  	v5 =	vsel vm9, $0x2D28, v5;
	v6 =	vsel vm9, $0xF68, v6;
	v7 =	vsel vm9, $0x3168, v7  }
0x19: {  	v0 =	vsel vm8, $0x330, v0;
	v1 =	vsel vm8, $0x2530, v1;
	v2 =	vsel vm8, $0x770, v2  }
0x1a: {  	v3 =	vsel vm8, $0x2970, v3;
	v4 =	vsel vm8, $0xBB0, v4;
	v5 =	vsel vm8, $0x2DB0, v5  }
0x1b: {  	v6 =	vsel vm8, $0xFF0, v6;
	v7 =	vsel vm8, $0x31F0, v7;
	v0 =	vsel vm7, $0x3B8, v0  }
0x1c: {  	v1 =	vsel vm7, $0x25B8, v1;
	v2 =	vsel vm7, $0x7F8, v2;
	v3 =	vsel vm7, $0x29F8, v3  }
0x1d: {  	v4 =	vsel vm7, $0xC38, v4;
	v5 =	vsel vm7, $0x2E38, v5;
	v6 =	vsel vm7, $0x1078, v6  }
0x1e: {  	v7 =	vsel vm7, $0x3278, v7;
	v0 =	vsel vm6, $0x1100, v0;
	v1 =	vsel vm6, $0x3300, v1  }
0x1f: {  	v2 =	vsel vm6, $0x1540, v2;
	v3 =	vsel vm6, $0x3740, v3;
	v4 =	vsel vm6, $0x1980, v4  }
0x20: {  	s1 =	rddreg [dreg:$0x0];
	v5 =	vsel vm6, $0x3B80, v5;
	v6 =	vsel vm6, $0x1DC0, v6;
	v7 =	vsel vm6, $0x3FC0, v7  }
0x21: {  	s0 =	srdreg.scid;
	s6 =	rddreg [dreg:$0x1];
	v0 =	vsel vm5, $0x1188, v0;
	v1 =	vsel vm5, $0x3388, v1;
	v2 =	vsel vm5, $0x15C8, v2  }
0x22: {  	s2 =	stileid.u32;
	s3 =	rddreg [dreg:$0x2];
	s4 =	simm.s32 $0x0;
	v3 =	vsel vm5, $0x37C8, v3;
	v4 =	vsel vm5, $0x1A08, v4;
	v5 =	vsel vm5, $0x3C08, v5  }
0x23: {  	s11 =	simm.s32 $0x80;
	s12 =	simm.s32 $0x400;
	s13 =	simm.s32 $0x4;
	v6 =	vsel vm5, $0x1E48, v6;
	v7 =	vsel vm5, $0x4048, v7;
	v0 =	vsel vm4, $0x1210, v0  }
0x24: {  	s14 =	simm.s32 $0xC800;
	s15 =	simm.s32 $0x3;
	s16 =	simm.s32 $0x8400;
	v1 =	vsel vm4, $0x3410, v1;
	v2 =	vsel vm4, $0x1650, v2;
	v3 =	vsel vm4, $0x3850, v3  }
0x25: {  	s19 =	simm.s32 $0x200;
	s21 =	simm.s32 $0x4400;
	s22 =	simm.s32 $0x280;
	v4 =	vsel vm4, $0x1A90, v4;
	v5 =	vsel vm4, $0x3C90, v5;
	v6 =	vsel vm4, $0x1ED0, v6  }
0x26: {  	s23 =	simm.s32 $0x5400;
	s24 =	simm.s32 $0x300;
	s25 =	simm.s32 $0x6400;
	v7 =	vsel vm4, $0x40D0, v7;
	v0 =	vsel vm3, $0x1298, v0;
	v1 =	vsel vm3, $0x3498, v1  }
0x27: {  	s26 =	simm.s32 $0x380;
	s0 =	sand.u32 $0x1, s0;
	s2 =	sshll.u32 s2, $0x1;
	v2 =	vsel vm3, $0x16D8, v2;
	v3 =	vsel vm3, $0x38D8, v3;
	v4 =	vsel vm3, $0x1B18, v4  }
0x28: {  	s28 =	simm.s32 $0x7400;
	[smem:$0x7FF] =	sst s4;
	s2 =	sor.u32 s0, s2;
	v5 =	vsel vm3, $0x3D18, v5;
	v6 =	vsel vm3, $0x1F58, v6;
	v7 =	vsel vm3, $0x4158, v7  }
0x29: {  	s20 =	simm.s32 $0x2;
	s6 =	sadd.s32 $0xF42800, s6;
	s5 =	smul.u32 $0x19000, s2;
	v0 =	vsel vm2, $0x1320, v0;
	v1 =	vsel vm2, $0x3520, v1;
	v2 =	vsel vm2, $0x1760, v2  }
0x2a: {  	s0 =	ssub.s32 $0x2, s0;
	s7 =	sshll.u32 s2, $0xF;
	s8 =	smul.u32 $0x320, s2;
	v3 =	vsel vm2, $0x3960, v3;
	v4 =	vsel vm2, $0x1BA0, v4;
	v5 =	vsel vm2, $0x3DA0, v5  }
0x2b: {  	s30 =	sshrl.u32 s0, $0x1;
	s7 =	sand.u32 $0x18000, s7;
	s5 =	sand.u32 $0x3E0000, s5;
	v6 =	vsel vm2, $0x1FE0, v6;
	v7 =	vsel vm2, $0x41E0, v7;
	v0 =	vsel vm1, $0x13A8, v0  }
.Ltmp0:
0x2c: {  	s29 =	sand.u32 $0x380, s8;
	s5 =	sor.u32 s7, s5;
	v1 =	vsel vm1, $0x35A8, v1;
	v2 =	vsel vm1, $0x17E8, v2;
	v3 =	vsel vm1, $0x39E8, v3;
	(pc) =	sbr.rel .LBB2_1-.Ltmp0, $4  }
0x2d: {  	_ =	strace $0x80000047;
	s0 =	ssub.s32 s0, s30;
	s7 =	sor.u32 s29, s5;
	v4 =	vsel vm1, $0x1C28, v4;
	v5 =	vsel vm1, $0x3E28, v5;
	v6 =	vsel vm1, $0x2068, v6  }
0x2e: {  	s0 =	smax.u32 s0, $0x1;
	s5 =	smul.u32 $0xC8, s2;
	s31 =	sshrl.u32 s7, $0x3;
	v7 =	vsel vm1, $0x4268, v7;
	v0 =	vsel vm0, $0x1430, v0;
	v1 =	vsel vm0, $0x3630, v1  }
0x2f: {  	[dreg:$0x5] =	wrdreg s0;
	s7 =	simm.s32 $0x0;
	s2 =	sadd.s32 s1, s31;
	v2 =	vsel vm0, $0x1870, v2;
	v3 =	vsel vm0, $0x3A70, v3;
	v4 =	vsel vm0, $0x1CB0, v4  }
0x30: {  	s8 =	sadd.s32 $0xFFFFFFFF, s5;
	s9 =	sor.u32 $0x2, s5;
	[dreg:$0x4] =	wrdreg s2;
	v5 =	vsel vm0, $0x3EB0, v5;
	v6 =	vsel vm0, $0x20F0, v6;
	v7 =	vsel vm0, $0x42F0, v7  }
.LBB2_52:
0x31: {  	s0 =	simm.s32 $0x5  }
0x32: {  	_ =	swait.ge [sflag:s0], $0x4000  }
0x33: {  	[sflag:s0] =	ssyncset.done $0x0  }
0x34: {  	s2 =	simm.s32 $0x6;
	[sflag:s0] =	ssyncadd.s32 $0xFFFFC000  }
0x35: {  	_ =	swait.ge [sflag:s2], $0x4000  }
0x36: {  	s7 =	rddreg [dreg:$0x6]  }
0x37: {  	s31 =	rddreg [dreg:$0x5];
	s7 =	sadd.s32 $0x1, s7  }
0x38: {  	p0 =	sne.s32 s7, s31  }
.Ltmp1:
0x39: {  	_ = 	snop;
	(pc) =	sbr.rel @!p0 .LBB2_53-.Ltmp1, $3  }
0x3a: {  	_ =	sdelay $0x1  }
0x3b: {  	[sflag:s2] =	ssyncset.done $0x0  }
0x3c: {  	[sflag:s2] =	ssyncadd.s32 $0xFFFFC000  }
.LBB2_1:
.Ltmp2:
0x3d: {  	(pc) =	sbr.rel .LBB2_2-.Ltmp2, $4  }
0x3e: {  	_ = 	snop  }
0x3f: {  	[dreg:$0x6] =	wrdreg s7  }
0x40: {  	s0 =	rddreg [dreg:$0x4];
	s30 =	simm.s32 $0x0  }
0x41: {  	[tilespmem:s4], [sflag:$0x1] =	stream.strided.gather [hbm4b:s0+s11], $0x200, s12, s11, $0x38;
	[tilespmem:$0x10C00] =	vst v63  }
.LBB2_51:
0x42: {  	p0 =	sgt.u32 s30, $0x62  }
0x43: {  	s0 =	sadd.s32 @!p0 s31, s9  }
0x44: {  	s2 =	sshll.u32 @!p0 s0, $0x9;
	s7 =	sshll.u32 @!p0 s0, $0xC  }
0x45: {  	s0 =	sshll.u32 @!p0 s0, $0x2;
	s2 =	sand.u32 @!p0 $0x7FFE0000, s2;
	s7 =	sand.u32 @!p0 $0x1E000, s7  }
0x46: {  	s0 =	sand.u32 @!p0 $0x380, s0;
	s2 =	sor.u32 @!p0 s7, s2  }
0x47: {  	s0 =	sor.u32 @!p0 s0, s2  }
0x48: {  	s30 =	sadd.s32 $0x1, s30;
	s10 =	simm.s32 @!p0 $0x0;
	s0 =	sshrl.u32 @!p0 s0, $0x3  }
0x49: {  	s7 =	simm.s32 @!p0 $0x400;
	s2 =	simm.s32 @!p0 $0x80;
	s0 =	sadd.s32 @!p0 s1, s0  }
0x4a: {  	[tilespmem:s10], [sflag:$0x1] =	stream.strided.gather @!p0 [hbm4b:s0+s2], $0x200, s7, s2, $0x38;
	[tilespmem:$0x10C00] =	vst v63  }
0x4b: {  	p0 =	sne.s32 s30, $0x65  }
.Ltmp3:
0x4c: {  	_ = 	snop;
	(pc) =	sbr.rel @!p0 .LBB2_52-.Ltmp3, $1  }
0x4d: {  	_ =	sdelay $0x3  }
.LBB2_2:
0x4e: {  	p0 =	seq.s32 s30, $0x64  }
0x4f: {  	s0 =	simm.s32 @!p0 $0x1  }
0x50: {  	_ =	swait.ge @!p0 [sflag:s0], $0x200  }
0x51: {  	s2 =	simm.s32 @!p0 $0x80;
	[sflag:s0] =	ssyncset.done @!p0 $0x0  }
0x52: {  	s7 =	simm.s32 @!p0 $0x0;
	s10 =	simm.s32 @!p0 $0x400;
	[sflag:s0] =	ssyncadd.s32 @!p0 $0xFFFFFE00  }
0x53: {  	[tilespmem:s10], [sflag:$0x3] =	stream.indirect.gather @!p0 [hbm4b:s6+s2], $0x20, s7, s2, $0xb8;
	[tilespmem:$0x10C00] =	vst v63  }
0x54: {  	s7 =	simm.s32 @!p0 $0x1400  }
0x55: {  	[tilespmem:s7], [sflag:$0x3] =	stream.indirect.gather @!p0 [hbm4b:s6+s2], $0x20, s2, s2, $0xb8;
	[tilespmem:$0x10C00] =	vst v63  }
0x56: {  	s10 =	simm.s32 @!p0 $0x2400;
	s7 =	simm.s32 @!p0 $0x100  }
0x57: {  	[tilespmem:s10], [sflag:$0x3] =	stream.indirect.gather @!p0 [hbm4b:s6+s2], $0x20, s7, s2, $0xb8;
	[tilespmem:$0x10C00] =	vst v63  }
0x58: {  	s31 =	sshll.u32 s30, $0x1;
	s7 =	simm.s32 @!p0 $0x180;
	s10 =	simm.s32 @!p0 $0x3400  }
0x59: {  	[tilespmem:s10], [sflag:$0x3] =	stream.indirect.gather @!p0 [hbm4b:s6+s2], $0x20, s7, s2, $0xb8;
	[tilespmem:$0x10C00] =	vst v63  }
0x5a: {  	s2 =	sadd.s32 @!p0 $0xFFFFFFFE, s31  }
0x5b: {  	p1 =	sgt.u32 @!p0 s2, $0xC7  }
0x5c: {  	p1 =	por p0, !p1  }
.Ltmp4:
0x5d: {  	_ = 	snop;
	(pc) =	sbr.rel @!p1 .LBB2_26-.Ltmp4, $1  }
0x5e: {  	_ =	sdelay $0x3  }
0x5f: {  	_ =	swait.ge [sflag:s13], $0x1000  }
0x60: {  	[sflag:s13] =	ssyncset.done $0x0  }
0x61: {  	[sflag:s13] =	ssyncadd.s32 $0xFFFFF000  }
0x62: {  	_ =	swait.ge [sflag:s13], $0x1000  }
0x63: {  	[sflag:s13] =	ssyncset.done $0x0  }
0x64: {  	[sflag:s13] =	ssyncadd.s32 $0xFFFFF000  }
0x65: {  	_ =	swait.ge [sflag:s13], $0x1000  }
0x66: {  	[sflag:s13] =	ssyncset.done $0x0  }
0x67: {  	[sflag:s13] =	ssyncadd.s32 $0xFFFFF000  }
0x68: {  	_ =	swait.ge [sflag:s13], $0x1000  }
0x69: {  	p1 =	slt.u32 s30, $0x2;
	[sflag:s13] =	ssyncset.done $0x0  }
0x6a: {  	s0 =	simm.s32 @!p1 $0x6;
	[sflag:s13] =	ssyncadd.s32 $0xFFFFF000  }
0x6b: {  	s2 =	simm.s32 $0x3;
	_ =	swait.ge @!p1 [sflag:s0], $0x4000  }
0x6c: {  	v8 =	vmov s2;
	[sflag:s0] =	ssyncset.done @!p1 $0x0  }
0x6d: {  	s7 =	simm.s32 $0x4440;
	s17 =	simm.s32 $0x0;
	v8 =	vand.u32 $0x7F, v8;
	[sflag:s0] =	ssyncadd.s32 @!p1 $0xFFFFC000  }
0x6e: {  	v9 =	vmov s17;
	v19 =	vadd.s32 v0, v8;
	v16 =	vld [tilespmem:s7+$0x20]  }
0x6f: {  	s18 =	simm.s32 $0x1;
	v9 =	vand.u32 $0x7C, v9;
	v25 =	vadd.s32 v1, v8;
	v24 =	vld [tilespmem:s7+$0x30]  }
0x70: {  	v10 =	vmov s18;
	v21 =	vadd.s32 v0, v9;
	v17 =	vld [tilespmem:s7+$0xFFFFFFC0]  }
0x71: {  	s29 =	simm.s32 $0x2;
	v10 =	vand.u32 $0x7D, v10;
	v18 =	vadd.s32 v1, v9;
	v12 =	vld [tilespmem:s7+$0xFFFFFFD0]  }
0x72: {  	v11 =	vmov s29;
	v15 =	vadd.s32 v0, v10;
	v13 =	vld [tilespmem:s7+$0xFFFFFFE0]  }
0x73: {  	s2 =	simm.s32 $0x7;
	v22 =	vand.u32 $0x7E, v11;
	v14 =	vld [tilespmem:s7+$0xFFFFFFF0];
	[tilespmem:v19+s14+$0x0] =	vst.idx.msk $0xffff, v16;
	v19 =	vadd.s32 v1, v10  }
0x74: {  	s10 =	simm.s32 $0x4;
	s17 =	simm.s32 $0x8;
	v23 =	vmov s2;
	v20 =	vadd.s32 v0, v22;
	s0 =	simm.s32 $0x4;
	v16 =	vld [tilespmem:s7+$0x0];
	[tilespmem:v25+s14+$0x0] =	vst.idx.msk $0xffff, v24  }
.LBB2_4:
0x75: {  	p1 =	slt.u32 s17, $0x7C;
	v23 =	vand.u32 $0x7F, v23;
	[tilespmem:v21+s14+$0x0] =	vst.idx.msk $0xffff, v17;
	v24 =	vld [tilespmem:s7+$0x10];
	v22 =	vadd.s32 v1, v22;
	s7 =	sadd.s32 $0x80, s7  }
0x76: {  	v17 =	vmov s10;
	v25 =	vld [tilespmem:s7+$0x20];
	v26 =	vadd.s32 v0, v23;
	[tilespmem:v18+s14+$0x0] =	vst.idx.msk $0xffff, v12  }
0x77: {  	s18 =	sadd.s32 $0x1, s10;
	v18 =	vand.u32 $0x7C, v17;
	v28 =	vadd.s32 v1, v23;
	v27 =	vld [tilespmem:s7+$0x30];
	[tilespmem:v15+s14+$0x0] =	vst.idx.msk $0xffff, v13  }
.Ltmp5:
0x78: {  	v21 =	vadd.s32 v0, v18;
	v13 =	vmov s18;
	v17 =	vld [tilespmem:s7+$0xFFFFFFC0];
	[tilespmem:v19+s14+$0x0] =	vst.idx.msk $0xffff, v14;
	(pc) =	sbr.rel @p1 .LBB2_4-.Ltmp5, $4  }
0x79: {  	v18 =	vadd.s32 v1, v18;
	s18 =	sadd.s32 $0x2, s10;
	s10 =	smov.u32 s17;
	v19 =	vand.u32 $0x7D, v13;
	v12 =	vld [tilespmem:s7+$0xFFFFFFD0];
	[tilespmem:v20+s14+$0x0] =	vst.idx.msk $0xffff, v16  }
0x7a: {  	v15 =	vadd.s32 v0, v19;
	v16 =	vmov s18;
	v13 =	vld [tilespmem:s7+$0xFFFFFFE0];
	[tilespmem:v22+s14+$0x0] =	vst.idx.msk $0xffff, v24  }
0x7b: {  	s18 =	sadd.s32 $0x3, s17;
	v19 =	vadd.s32 v1, v19;
	v22 =	vand.u32 $0x7E, v16;
	v14 =	vld [tilespmem:s7+$0xFFFFFFF0];
	[tilespmem:v26+s14+$0x0] =	vst.idx.msk $0xffff, v25  }
0x7c: {  	s17 =	sadd.s32 $0x4, s17;
	v23 =	vmov s18;
	v20 =	vadd.s32 v0, v22;
	v16 =	vld [tilespmem:s7+$0x0];
	[tilespmem:v28+s14+$0x0] =	vst.idx.msk $0xffff, v27  }
0x7d: {  	_ =	sdelay $0x3  }
0x7e: {  	v23 =	vand.u32 $0x7F, v23;
	[tilespmem:v21+s14+$0x0] =	vst.idx.msk $0xffff, v17;
	v17 =	vld [tilespmem:s7+$0x10];
	v55 =	vadd.s32 v1, v22;
	s18 =	sadd.s32 $0x80, s7  }
0x7f: {  	v56 =	vmov s10;
	v24 =	vld [tilespmem:s18+$0x20];
	v25 =	vadd.s32 v0, v23;
	[tilespmem:v18+s14+$0x0] =	vst.idx.msk $0xffff, v12  }
0x80: {  	s29 =	sadd.s32 $0x2, s10;
	v12 =	vand.u32 $0x7C, v56;
	v18 =	vld [tilespmem:s18+$0x30];
	v57 =	vadd.s32 v1, v23;
	[tilespmem:v15+s14+$0x0] =	vst.idx.msk $0xffff, v13  }
0x81: {  	s17 =	sadd.s32 $0x1, s10;
	v59 =	vmov s29;
	v13 =	vld [tilespmem:s18+$0xFFFFFFC0];
	v15 =	vadd.s32 v0, v12;
	[tilespmem:v19+s14+$0x0] =	vst.idx.msk $0xffff, v14  }
0x82: {  	v58 =	vmov s17;
	v12 =	vadd.s32 v1, v12;
	v60 =	vand.u32 $0x7E, v59;
	v14 =	vld [tilespmem:s18+$0xFFFFFFD0];
	[tilespmem:v20+s14+$0x0] =	vst.idx.msk $0xffff, v16  }
0x83: {  	v61 =	vld [tilespmem:s18+$0x0];
	v19 =	vand.u32 $0x7D, v58;
	v62 =	vadd.s32 v0, v60;
	[tilespmem:v55+s14+$0x0] =	vst.idx.msk $0xffff, v17  }
0x84: {  	v16 =	vld [tilespmem:s18+$0xFFFFFFE0];
	v20 =	vadd.s32 v0, v19;
	[tilespmem:v25+s14+$0x0] =	vst.idx.msk $0xffff, v24  }
0x85: {  	v19 =	vadd.s32 v1, v19;
	v17 =	vld [tilespmem:s18+$0xFFFFFFF0];
	[tilespmem:v57+s14+$0x0] =	vst.idx.msk $0xffff, v18  }
0x86: {  	[tilespmem:v15+s14+$0x0] =	vst.idx.msk $0xffff, v13;
	v13 =	vld [tilespmem:s18+$0x10];
	v15 =	vadd.s32 v1, v60  }
0x87: {  	[tilespmem:v12+s14+$0x0] =	vst.idx.msk $0xffff, v14  }
0x88: {  	[tilespmem:v62+s14+$0x0] =	vst.idx.msk $0xffff, v61  }
0x89: {  	[tilespmem:v20+s14+$0x0] =	vst.idx.msk $0xffff, v16  }
0x8a: {  	[tilespmem:v19+s14+$0x0] =	vst.idx.msk $0xffff, v17  }
0x8b: {  	s7 =	simm.s32 $0x5470;
	[tilespmem:v15+s14+$0x0] =	vst.idx.msk $0xffff, v13  }
0x8c: {  	v19 =	vadd.s32 v2, v8;
	v14 =	vld [tilespmem:s7+$0xFFFFFFF0]  }
0x8d: {  	v63 =	vadd.s32 v3, v8;
	v20 =	vld [tilespmem:s7+$0x0]  }
0x8e: {  	v17 =	vadd.s32 v2, v9;
	v16 =	vld [tilespmem:s7+$0xFFFFFF90]  }
0x8f: {  	v15 =	vadd.s32 v3, v9;
	v12 =	vld [tilespmem:s7+$0xFFFFFFA0]  }
0x90: {  	v13 =	vadd.s32 v2, v10;
	v8 =	vld [tilespmem:s7+$0xFFFFFFB0]  }
0x91: {  	v18 =	vand.u32 $0x7E, v11;
	v11 =	vadd.s32 v3, v10;
	v9 =	vld [tilespmem:s7+$0xFFFFFFC0];
	[tilespmem:v19+s14+$0x0] =	vst.idx.msk $0xffff, v14  }
0x92: {  	v10 =	vld [tilespmem:s7+$0xFFFFFFD0];
	v19 =	vmov s2;
	s2 =	simm.s32 $0x8;
	v14 =	vadd.s32 v2, v18;
	[tilespmem:v63+s14+$0x0] =	vst.idx.msk $0xffff, v20  }
.LBB2_6:
0x93: {  	p1 =	slt.u32 s2, $0x7C;
	v19 =	vand.u32 $0x7F, v19;
	[tilespmem:v17+s14+$0x0] =	vst.idx.msk $0xffff, v16;
	v20 =	vld [tilespmem:s7+$0xFFFFFFE0];
	v18 =	vadd.s32 v3, v18;
	s7 =	sadd.s32 $0x80, s7  }
0x94: {  	v16 =	vmov s0;
	v21 =	vld [tilespmem:s7+$0xFFFFFFF0];
	v22 =	vadd.s32 v2, v19;
	[tilespmem:v15+s14+$0x0] =	vst.idx.msk $0xffff, v12  }
0x95: {  	s10 =	sadd.s32 $0x1, s0;
	v15 =	vand.u32 $0x7C, v16;
	v24 =	vadd.s32 v3, v19;
	v23 =	vld [tilespmem:s7+$0x0];
	[tilespmem:v13+s14+$0x0] =	vst.idx.msk $0xffff, v8  }
.Ltmp6:
0x96: {  	v17 =	vadd.s32 v2, v15;
	v8 =	vmov s10;
	v16 =	vld [tilespmem:s7+$0xFFFFFF90];
	[tilespmem:v11+s14+$0x0] =	vst.idx.msk $0xffff, v9;
	(pc) =	sbr.rel @p1 .LBB2_6-.Ltmp6, $4  }
0x97: {  	v15 =	vadd.s32 v3, v15;
	s10 =	sadd.s32 $0x2, s0;
	s0 =	smov.u32 s2;
	v11 =	vand.u32 $0x7D, v8;
	v12 =	vld [tilespmem:s7+$0xFFFFFFA0];
	[tilespmem:v14+s14+$0x0] =	vst.idx.msk $0xffff, v10  }
0x98: {  	v13 =	vadd.s32 v2, v11;
	v10 =	vmov s10;
	v8 =	vld [tilespmem:s7+$0xFFFFFFB0];
	[tilespmem:v18+s14+$0x0] =	vst.idx.msk $0xffff, v20  }
0x99: {  	s10 =	sadd.s32 $0x3, s2;
	v11 =	vadd.s32 v3, v11;
	v18 =	vand.u32 $0x7E, v10;
	v9 =	vld [tilespmem:s7+$0xFFFFFFC0];
	[tilespmem:v22+s14+$0x0] =	vst.idx.msk $0xffff, v21  }
0x9a: {  	s2 =	sadd.s32 $0x4, s2;
	v19 =	vmov s10;
	v14 =	vadd.s32 v2, v18;
	v10 =	vld [tilespmem:s7+$0xFFFFFFD0];
	[tilespmem:v24+s14+$0x0] =	vst.idx.msk $0xffff, v23  }
0x9b: {  	_ =	sdelay $0x3  }
0x9c: {  	v19 =	vand.u32 $0x7F, v19;
	[tilespmem:v17+s14+$0x0] =	vst.idx.msk $0xffff, v16;
	v16 =	vld [tilespmem:s7+$0xFFFFFFE0];
	v17 =	vadd.s32 v3, v18;
	s2 =	sadd.s32 $0x80, s7  }
0x9d: {  	v18 =	vmov s0;
	v20 =	vld [tilespmem:s2+$0xFFFFFFF0];
	v21 =	vadd.s32 v2, v19;
	[tilespmem:v15+s14+$0x0] =	vst.idx.msk $0xffff, v12  }
0x9e: {  	s17 =	sadd.s32 $0x1, s0;
	v12 =	vand.u32 $0x7C, v18;
	v15 =	vld [tilespmem:s2+$0x0];
	v18 =	vadd.s32 v3, v19;
	[tilespmem:v13+s14+$0x0] =	vst.idx.msk $0xffff, v8  }
0x9f: {  	v19 =	vmov s17;
	v8 =	vld [tilespmem:s2+$0xFFFFFF90];
	v13 =	vadd.s32 v2, v12;
	[tilespmem:v11+s14+$0x0] =	vst.idx.msk $0xffff, v9  }
0xa0: {  	s18 =	sadd.s32 $0x2, s0;
	v9 =	vld [tilespmem:s2+$0xFFFFFFA0];
	v11 =	vadd.s32 v3, v12;
	v12 =	vand.u32 $0x7D, v19;
	[tilespmem:v14+s14+$0x0] =	vst.idx.msk $0xffff, v10  }
0xa1: {  	v19 =	vmov s18;
	v10 =	vld [tilespmem:s2+$0xFFFFFFB0];
	v14 =	vadd.s32 v2, v12;
	[tilespmem:v17+s14+$0x0] =	vst.idx.msk $0xffff, v16  }
0xa2: {  	v12 =	vadd.s32 v3, v12;
	v16 =	vld [tilespmem:s2+$0xFFFFFFC0];
	v17 =	vand.u32 $0x7E, v19;
	[tilespmem:v21+s14+$0x0] =	vst.idx.msk $0xffff, v20  }
0xa3: {  	v19 =	vld [tilespmem:s2+$0xFFFFFFD0];
	v20 =	vadd.s32 v2, v17;
	[tilespmem:v18+s14+$0x0] =	vst.idx.msk $0xffff, v15  }
0xa4: {  	p2 =	por $0x1, $0x1;
	[tilespmem:v13+s14+$0x0] =	vst.idx.msk $0xffff, v8;
	v13 =	vld [tilespmem:s2+$0xFFFFFFE0];
	v15 =	vadd.s32 v3, v17  }
.Ltmp7:
0xa5: {  	[tilespmem:v11+s14+$0x0] =	vst.idx.msk $0xffff, v9;
	(pc) =	sbr.rel @!p2 .LBB2_11-.Ltmp7, $4  }
0xa6: {  	[tilespmem:v14+s14+$0x0] =	vst.idx.msk $0xffff, v10  }
0xa7: {  	s0 =	simm.s32 $0x0;
	s29 =	simm.s32 $0x3;
	[tilespmem:v12+s14+$0x0] =	vst.idx.msk $0xffff, v16  }
0xa8: {  	s7 =	simm.s32 $0x6470;
	p1 =	por $0x0, $0x0;
	s10 =	simm.s32 $0x0;
	v8 =	vmov s29;
	[tilespmem:v20+s14+$0x0] =	vst.idx.msk $0xffff, v19  }
0xa9: {  	p3 =	por $0x0, $0x0;
	s17 =	simm.s32 $0x6470;
	s2 =	simm.s32 $0x4;
	v20 =	vmov v8;
	[tilespmem:v15+s14+$0x0] =	vst.idx.msk $0xffff, v13  }
0xaa: {  	v9 =	vand.u32 $0x7F, v8  }
0xab: {  	v16 =	vld [tilespmem:s7+$0xFFFFFFF0];
	v17 =	vadd.s32 v4, v9;
	v22 =	vadd.s32 v5, v9;
	v9 =	vmov s0  }
0xac: {  	v21 =	vld [tilespmem:s7+$0x0];
	s10 =	simm.s32 $0x1;
	p4 =	por $0x1, $0x1;
	v12 =	vand.u32 $0x7C, v9  }
.Ltmp8:
0xad: {  	v10 =	vld [tilespmem:s7+$0xFFFFFF90];
	v11 =	vmov s10;
	v13 =	vadd.s32 v4, v12;
	(pc) =	sbr.rel @!p4 .LBB2_9-.Ltmp8, $4  }
0xae: {  	s18 =	simm.s32 $0x2;
	v9 =	vld [tilespmem:s7+$0xFFFFFFA0];
	v18 =	vand.u32 $0x7D, v11;
	v15 =	vadd.s32 v5, v12  }
0xaf: {  	v19 =	vmov s18;
	v11 =	vld [tilespmem:s7+$0xFFFFFFB0];
	v14 =	vadd.s32 v4, v18  }
0xb0: {  	s29 =	simm.s32 $0x7;
	p3 =	por $0x1, $0x1;
	v19 =	vand.u32 $0x7E, v19;
	v12 =	vld [tilespmem:s7+$0xFFFFFFC0];
	[tilespmem:v17+s14+$0x0] =	vst.idx.msk $0xffff, v16;
	v17 =	vadd.s32 v5, v18  }
0xb1: {  	s17 =	simm.s32 $0x6470;
	s18 =	simm.s32 $0x8;
	v20 =	vmov s29;
	s10 =	simm.s32 $0x4;
	v16 =	vld [tilespmem:s7+$0xFFFFFFD0];
	v18 =	vadd.s32 v4, v19;
	[tilespmem:v22+s14+$0x0] =	vst.idx.msk $0xffff, v21  }
.LBB2_10:
0xb2: {  	p4 =	slt.u32 s18, $0x7C;
	v20 =	vand.u32 $0x7F, v20;
	[tilespmem:v13+s14+$0x0] =	vst.idx.msk $0xffff, v10;
	v21 =	vld [tilespmem:s17+$0xFFFFFFE0];
	v19 =	vadd.s32 v5, v19;
	s17 =	sadd.s32 $0x80, s17  }
0xb3: {  	v10 =	vmov s10;
	v22 =	vld [tilespmem:s17+$0xFFFFFFF0];
	v23 =	vadd.s32 v4, v20;
	[tilespmem:v15+s14+$0x0] =	vst.idx.msk $0xffff, v9  }
0xb4: {  	s29 =	sadd.s32 $0x1, s10;
	v15 =	vand.u32 $0x7C, v10;
	v25 =	vadd.s32 v5, v20;
	v24 =	vld [tilespmem:s17+$0x0];
	[tilespmem:v14+s14+$0x0] =	vst.idx.msk $0xffff, v11  }
.Ltmp9:
0xb5: {  	v13 =	vadd.s32 v4, v15;
	v11 =	vmov s29;
	v10 =	vld [tilespmem:s17+$0xFFFFFF90];
	[tilespmem:v17+s14+$0x0] =	vst.idx.msk $0xffff, v12;
	(pc) =	sbr.rel @p4 .LBB2_10-.Ltmp9, $4  }
0xb6: {  	v15 =	vadd.s32 v5, v15;
	s29 =	sadd.s32 $0x2, s10;
	s10 =	smov.u32 s18;
	v17 =	vand.u32 $0x7D, v11;
	v9 =	vld [tilespmem:s17+$0xFFFFFFA0];
	[tilespmem:v18+s14+$0x0] =	vst.idx.msk $0xffff, v16  }
0xb7: {  	v14 =	vadd.s32 v4, v17;
	v16 =	vmov s29;
	v11 =	vld [tilespmem:s17+$0xFFFFFFB0];
	[tilespmem:v19+s14+$0x0] =	vst.idx.msk $0xffff, v21  }
0xb8: {  	s29 =	sadd.s32 $0x3, s18;
	v17 =	vadd.s32 v5, v17;
	v19 =	vand.u32 $0x7E, v16;
	v12 =	vld [tilespmem:s17+$0xFFFFFFC0];
	[tilespmem:v23+s14+$0x0] =	vst.idx.msk $0xffff, v22  }
0xb9: {  	s18 =	sadd.s32 $0x4, s18;
	v20 =	vmov s29;
	v18 =	vadd.s32 v4, v19;
	v16 =	vld [tilespmem:s17+$0xFFFFFFD0];
	[tilespmem:v25+s14+$0x0] =	vst.idx.msk $0xffff, v24  }
.LBB2_11:
0xba: {  	_ =	sdelay $0x2  }
0xbb: {  	s18 =	sadd.s32 @p3 $0x80, s17  }
0xbc: {  	v21 =	vld @p3 [tilespmem:s17+$0xFFFFFFE0];
	v20 =	vand.u32 $0x7F, v20;
	[tilespmem:v13+s14+$0x0] =	vst.idx.msk @p3 $0xffff, v10;
	v10 =	vadd.s32 @p3 v5, v19;
	v50 =	vmov s10;
	s7 =	smov.u32 @p3 s18  }
0xbd: {  	v22 =	vadd.s32 v4, v20;
	[tilespmem:v15+s14+$0x0] =	vst.idx.msk @p3 $0xffff, v9;
	v9 =	vand.u32 $0x7C, v50;
	v51 =	vld [tilespmem:s7+$0xFFFFFFF0]  }
0xbe: {  	s29 =	sadd.s32 $0x2, s10;
	[tilespmem:v14+s14+$0x0] =	vst.idx.msk @p3 $0xffff, v11;
	v11 =	vld [tilespmem:s7+$0xFFFFFF90];
	v54 =	vadd.s32 v4, v9  }
0xbf: {  	s18 =	sadd.s32 $0x1, s10;
	v53 =	vadd.s32 v5, v20;
	v60 =	vmov s29;
	v52 =	vld [tilespmem:s7+$0x0];
	[tilespmem:v17+s14+$0x0] =	vst.idx.msk @p3 $0xffff, v12  }
0xc0: {  	v55 =	vmov s18;
	v56 =	vld [tilespmem:s7+$0xFFFFFFA0];
	v9 =	vadd.s32 v5, v9;
	v20 =	vand.u32 $0x7E, v60;
	[tilespmem:v18+s14+$0x0] =	vst.idx.msk @p3 $0xffff, v16  }
0xc1: {  	v61 =	vld [tilespmem:s7+$0xFFFFFFD0];
	v57 =	vand.u32 $0x7D, v55;
	v62 =	vadd.s32 v4, v20;
	[tilespmem:v10+s14+$0x0] =	vst.idx.msk @p3 $0xffff, v21  }
0xc2: {  	v58 =	vld [tilespmem:s7+$0xFFFFFFB0];
	v59 =	vadd.s32 v4, v57;
	[tilespmem:v22+s14+$0x0] =	vst.idx.msk $0xffff, v51  }
0xc3: {  	v17 =	vadd.s32 v5, v57;
	v10 =	vld [tilespmem:s7+$0xFFFFFFC0];
	[tilespmem:v54+s14+$0x0] =	vst.idx.msk $0xffff, v11  }
0xc4: {  	v63 =	vadd.s32 v5, v20;
	v11 =	vld [tilespmem:s7+$0xFFFFFFE0];
	[tilespmem:v53+s14+$0x0] =	vst.idx.msk $0xffff, v52  }
.Ltmp10:
0xc5: {  	[tilespmem:v9+s14+$0x0] =	vst.idx.msk $0xffff, v56;
	(pc) =	sbr.rel @!p2 .LBB2_12-.Ltmp10, $4  }
0xc6: {  	[tilespmem:v62+s14+$0x0] =	vst.idx.msk $0xffff, v61  }
0xc7: {  	[tilespmem:v59+s14+$0x0] =	vst.idx.msk $0xffff, v58  }
0xc8: {  	[tilespmem:v17+s14+$0x0] =	vst.idx.msk $0xffff, v10  }
0xc9: {  	s7 =	simm.s32 $0x7470;
	[tilespmem:v63+s14+$0x0] =	vst.idx.msk $0xffff, v11  }
0xca: {  	v8 =	vand.u32 $0x7F, v8  }
0xcb: {  	v16 =	vld [tilespmem:s7+$0xFFFFFFF0];
	v17 =	vadd.s32 v6, v8;
	v21 =	vadd.s32 v7, v8;
	v8 =	vmov s0  }
0xcc: {  	v20 =	vld [tilespmem:s7+$0x0];
	s17 =	simm.s32 $0x1;
	p2 =	por $0x1, $0x1;
	v8 =	vand.u32 $0x7C, v8  }
.Ltmp11:
0xcd: {  	v11 =	vld [tilespmem:s7+$0xFFFFFF90];
	v10 =	vmov s17;
	v15 =	vadd.s32 v6, v8;
	(pc) =	sbr.rel @!p2 .LBB2_14-.Ltmp11, $4  }
0xce: {  	v9 =	vld [tilespmem:s7+$0xFFFFFFA0];
	s18 =	simm.s32 $0x2;
	v18 =	vand.u32 $0x7D, v10;
	v14 =	vadd.s32 v7, v8  }
0xcf: {  	v19 =	vmov s18;
	v10 =	vld [tilespmem:s7+$0xFFFFFFB0];
	v13 =	vadd.s32 v6, v18  }
0xd0: {  	s29 =	simm.s32 $0x7;
	v12 =	vld [tilespmem:s7+$0xFFFFFFC0];
	v19 =	vand.u32 $0x7E, v19;
	[tilespmem:v17+s14+$0x0] =	vst.idx.msk $0xffff, v16;
	v17 =	vadd.s32 v7, v18  }
0xd1: {  	p1 =	por $0x1, $0x1;
	s10 =	simm.s32 $0x7470;
	s0 =	simm.s32 $0x8;
	v8 =	vmov s29;
	v16 =	vld [tilespmem:s7+$0xFFFFFFD0];
	v18 =	vadd.s32 v6, v19;
	[tilespmem:v21+s14+$0x0] =	vst.idx.msk $0xffff, v20  }
.LBB2_15:
0xd2: {  	p2 =	slt.u32 s0, $0x7C;
	v8 =	vand.u32 $0x7F, v8;
	[tilespmem:v15+s14+$0x0] =	vst.idx.msk $0xffff, v11;
	v20 =	vld [tilespmem:s10+$0xFFFFFFE0];
	v19 =	vadd.s32 v7, v19;
	s10 =	sadd.s32 $0x80, s10  }
0xd3: {  	v11 =	vmov s2;
	v21 =	vld [tilespmem:s10+$0xFFFFFFF0];
	v22 =	vadd.s32 v6, v8;
	[tilespmem:v14+s14+$0x0] =	vst.idx.msk $0xffff, v9  }
0xd4: {  	s17 =	sadd.s32 $0x1, s2;
	v14 =	vand.u32 $0x7C, v11;
	v24 =	vadd.s32 v7, v8;
	v23 =	vld [tilespmem:s10+$0x0];
	[tilespmem:v13+s14+$0x0] =	vst.idx.msk $0xffff, v10  }
.Ltmp12:
0xd5: {  	v8 =	vmov s17;
	v15 =	vadd.s32 v6, v14;
	v11 =	vld [tilespmem:s10+$0xFFFFFF90];
	[tilespmem:v17+s14+$0x0] =	vst.idx.msk $0xffff, v12;
	(pc) =	sbr.rel @p2 .LBB2_15-.Ltmp12, $4  }
0xd6: {  	s17 =	sadd.s32 $0x2, s2;
	s2 =	smov.u32 s0;
	v14 =	vadd.s32 v7, v14;
	v8 =	vand.u32 $0x7D, v8;
	v9 =	vld [tilespmem:s10+$0xFFFFFFA0];
	[tilespmem:v18+s14+$0x0] =	vst.idx.msk $0xffff, v16  }
0xd7: {  	v13 =	vadd.s32 v6, v8;
	v16 =	vmov s17;
	v10 =	vld [tilespmem:s10+$0xFFFFFFB0];
	[tilespmem:v19+s14+$0x0] =	vst.idx.msk $0xffff, v20  }
0xd8: {  	v17 =	vadd.s32 v7, v8;
	s17 =	sadd.s32 $0x3, s0;
	v19 =	vand.u32 $0x7E, v16;
	v12 =	vld [tilespmem:s10+$0xFFFFFFC0];
	[tilespmem:v22+s14+$0x0] =	vst.idx.msk $0xffff, v21  }
0xd9: {  	s0 =	sadd.s32 $0x4, s0;
	v8 =	vmov s17;
	v18 =	vadd.s32 v6, v19;
	v16 =	vld [tilespmem:s10+$0xFFFFFFD0];
	[tilespmem:v24+s14+$0x0] =	vst.idx.msk $0xffff, v23  }
0xda: {  	s0 =	smov.u32 s2  }
.LBB2_17:
0xdb: {  	_ =	sdelay $0x2  }
0xdc: {  	s2 =	sadd.s32 @p1 $0x80, s10  }
0xdd: {  	v8 =	vand.u32 $0x7F, v8;
	[tilespmem:v15+s14+$0x0] =	vst.idx.msk @p1 $0xffff, v11;
	v11 =	vld @p1 [tilespmem:s10+$0xFFFFFFE0];
	v15 =	vadd.s32 @p1 v7, v19;
	v47 =	vmov s0;
	s7 =	smov.u32 @p1 s2  }
0xde: {  	v21 =	vadd.s32 v6, v8;
	[tilespmem:v14+s14+$0x0] =	vst.idx.msk @p1 $0xffff, v9;
	v48 =	vand.u32 $0x7C, v47;
	v20 =	vld [tilespmem:s7+$0xFFFFFFF0]  }
0xdf: {  	s10 =	sadd.s32 $0x1, s0;
	[tilespmem:v13+s14+$0x0] =	vst.idx.msk @p1 $0xffff, v10;
	v50 =	vld [tilespmem:s7+$0xFFFFFF90];
	v51 =	vadd.s32 v6, v48  }
0xe0: {  	s17 =	sadd.s32 $0x2, s0;
	v8 =	vadd.s32 v7, v8;
	v52 =	vmov s10;
	s2 =	sadd.s32 s31, s8;
	v49 =	vld [tilespmem:s7+$0x0];
	[tilespmem:v17+s14+$0x0] =	vst.idx.msk @p1 $0xffff, v12  }
0xe1: {  	v57 =	vmov s17;
	v53 =	vld [tilespmem:s7+$0xFFFFFFA0];
	v9 =	vadd.s32 v7, v48;
	v54 =	vand.u32 $0x7D, v52;
	s18 =	sshra.s32 s2, $0x1F;
	[tilespmem:v18+s14+$0x0] =	vst.idx.msk @p1 $0xffff, v16  }
0xe2: {  	v55 =	vld [tilespmem:s7+$0xFFFFFFB0];
	v60 =	vand.u32 $0x7E, v57;
	v56 =	vadd.s32 v6, v54;
	s29 =	sshrl.u32 s18, $0x1B;
	[tilespmem:v15+s14+$0x0] =	vst.idx.msk @p1 $0xffff, v11  }
0xe3: {  	v61 =	vld [tilespmem:s7+$0xFFFFFFD0];
	v62 =	vadd.s32 v6, v60;
	s0 =	sadd.s32 s29, s2;
	[tilespmem:v21+s14+$0x0] =	vst.idx.msk $0xffff, v20  }
0xe4: {  	v58 =	vld [tilespmem:s7+$0xFFFFFFC0];
	v59 =	vadd.s32 v7, v54;
	s0 =	sshrl.u32 s0, $0x5;
	[tilespmem:v51+s14+$0x0] =	vst.idx.msk $0xffff, v50  }
0xe5: {  	v63 =	vadd.s32 v7, v60;
	s2 =	sshll.u32 s2, $0xC;
	s0 =	sadd.s32 s18, s0;
	[tilespmem:v8+s14+$0x0] =	vst.idx.msk $0xffff, v49;
	v8 =	vld [tilespmem:s7+$0xFFFFFFE0]  }
0xe6: {  	s2 =	sand.u32 $0x1F000, s2;
	s0 =	sshll.u32 s0, $0x13;
	[tilespmem:v9+s14+$0x0] =	vst.idx.msk $0xffff, v53  }
0xe7: {  	[tilespmem:v56+s14+$0x0] =	vst.idx.msk $0xffff, v55;
	s0 =	sor.u32 s2, s0  }
0xe8: {  	[tilespmem:v62+s14+$0x0] =	vst.idx.msk $0xffff, v61;
	s0 =	sshrl.u32 s0, $0x3  }
0xe9: {  	s10 =	simm.s32 $0xC888;
	[tilespmem:v59+s14+$0x0] =	vst.idx.msk $0xffff, v58;
	s0 =	sadd.s32 s3, s0  }
0xea: {  	s2 =	simm.s32 $0xC800;
	s7 =	simm.s32 $0x10;
	s17 =	sadd.s32 $0x0, s0;
	[tilespmem:v63+s14+$0x0] =	vst.idx.msk $0xffff, v8  }
.LBB2_18:
0xeb: {  	[hbm4b:s17+s4] =	stream.linear.scatter [tilespmem:s2], [sflag:$0x6], $0x80, $0x38;
	[tilespmem:$0x10C00] =	vst v63  }
0xec: {  	s17 =	smov.u32 s7;
	s2 =	smov.u32 s10;
	p1 =	sne.s32 s7, $0x1F0  }
.Ltmp13:
0xed: {  	s7 =	sadd.s32 $0x10, s7;
	(pc) =	sbr.rel @p1 .LBB2_18-.Ltmp13, $2  }
0xee: {  	_ =	sdelay $0x2  }
0xef: {  	s10 =	sadd.s32 $0x88, s10;
	s17 =	sadd.s32 s17, s0  }
0xf0: {  	[hbm4b:s17+s4] =	stream.linear.scatter [tilespmem:s2], [sflag:$0x6], $0x80, $0x38;
	[tilespmem:$0x10C00] =	vst v63  }
0xf1: {  	s2 =	sadd.s32 $0x4000, s0;
	s7 =	simm.s32 $0xD900  }
0xf2: {  	s10 =	simm.s32 $0x10;
	s17 =	simm.s32 $0xD988;
	s18 =	sadd.s32 $0x0, s2  }
.LBB2_20:
0xf3: {  	[hbm4b:s18+s4] =	stream.linear.scatter [tilespmem:s7], [sflag:$0x6], $0x80, $0x38;
	[tilespmem:$0x10C00] =	vst v63  }
0xf4: {  	s18 =	smov.u32 s10;
	s7 =	smov.u32 s17;
	p1 =	sne.s32 s10, $0x1F0  }
.Ltmp14:
0xf5: {  	s10 =	sadd.s32 $0x10, s10;
	(pc) =	sbr.rel @p1 .LBB2_20-.Ltmp14, $2  }
0xf6: {  	_ =	sdelay $0x2  }
0xf7: {  	s17 =	sadd.s32 $0x88, s17;
	s18 =	sadd.s32 s18, s2  }
0xf8: {  	[hbm4b:s18+s4] =	stream.linear.scatter [tilespmem:s7], [sflag:$0x6], $0x80, $0x38;
	[tilespmem:$0x10C00] =	vst v63  }
0xf9: {  	s2 =	sadd.s32 $0x8000, s0;
	s7 =	simm.s32 $0xEA00  }
0xfa: {  	s10 =	simm.s32 $0x10;
	s17 =	simm.s32 $0xEA88;
	s18 =	sadd.s32 $0x0, s2  }
.LBB2_22:
0xfb: {  	[hbm4b:s18+s4] =	stream.linear.scatter [tilespmem:s7], [sflag:$0x6], $0x80, $0x38;
	[tilespmem:$0x10C00] =	vst v63  }
0xfc: {  	s18 =	smov.u32 s10;
	s7 =	smov.u32 s17;
	p1 =	sne.s32 s10, $0x1F0  }
.Ltmp15:
0xfd: {  	s10 =	sadd.s32 $0x10, s10;
	(pc) =	sbr.rel @p1 .LBB2_22-.Ltmp15, $2  }
0xfe: {  	_ =	sdelay $0x2  }
0xff: {  	s17 =	sadd.s32 $0x88, s17;
	s18 =	sadd.s32 s18, s2  }
0x100: {  	[hbm4b:s18+s4] =	stream.linear.scatter [tilespmem:s7], [sflag:$0x6], $0x80, $0x38;
	[tilespmem:$0x10C00] =	vst v63  }
0x101: {  	s0 =	sadd.s32 $0xC000, s0;
	s2 =	simm.s32 $0xFB00  }
0x102: {  	s7 =	simm.s32 $0x10;
	s10 =	simm.s32 $0xFB88;
	s17 =	sadd.s32 $0x0, s0  }
.LBB2_24:
0x103: {  	[hbm4b:s17+s4] =	stream.linear.scatter [tilespmem:s2], [sflag:$0x6], $0x80, $0x38;
	[tilespmem:$0x10C00] =	vst v63  }
0x104: {  	s17 =	smov.u32 s7;
	s2 =	smov.u32 s10;
	p1 =	sne.s32 s7, $0x1F0  }
.Ltmp16:
0x105: {  	s7 =	sadd.s32 $0x10, s7;
	(pc) =	sbr.rel @p1 .LBB2_24-.Ltmp16, $2  }
0x106: {  	_ =	sdelay $0x2  }
0x107: {  	s10 =	sadd.s32 $0x88, s10;
	s17 =	sadd.s32 s17, s0  }
.Ltmp17:
0x108: {  	(pc) =	sbr.rel @p0 .LBB2_27-.Ltmp17, $3  }
0x109: {  	_ =	sdelay $0x1  }
0x10a: {  	[hbm4b:s17+s4] =	stream.linear.scatter [tilespmem:s2], [sflag:$0x6], $0x80, $0x38;
	[tilespmem:$0x10C00] =	vst v63  }
0x10b: {  	s0 =	sor.u32 $0x1, s31  }
.LBB2_26:
0x10c: {  	s2 =	sadd.s32 s5, s0  }
0x10d: {  	s7 =	sshll.u32 s2, $0x9;
	s10 =	sshll.u32 s2, $0xC  }
0x10e: {  	s2 =	sshll.u32 s2, $0x2;
	s7 =	sand.u32 $0x7FFE0000, s7;
	s10 =	sand.u32 $0x1F000, s10  }
0x10f: {  	s2 =	sand.u32 $0x380, s2;
	s7 =	sor.u32 s10, s7  }
0x110: {  	s2 =	sor.u32 s2, s7  }
0x111: {  	s2 =	sshrl.u32 s2, $0x3  }
0x112: {  	s2 =	sadd.s32 s1, s2  }
0x113: {  	[tilespmem:s19], [sflag:$0x2] =	stream.strided.gather [hbm4b:s2+s11], $0x200, s12, s11, $0x38;
	[tilespmem:$0x10C00] =	vst v63  }
0x114: {  	_ =	swait.ge [sflag:s20], $0x200  }
0x115: {  	[sflag:s20] =	ssyncset.done $0x0  }
0x116: {  	[sflag:s20] =	ssyncadd.s32 $0xFFFFFE00  }
0x117: {  	[tilespmem:s21], [sflag:$0x4] =	stream.indirect.gather [hbm4b:s6+s11], $0x20, s19, s11, $0xb8;
	[tilespmem:$0x10C00] =	vst v63  }
0x118: {  	_ = 	snop  }
0x119: {  	[tilespmem:s23], [sflag:$0x4] =	stream.indirect.gather [hbm4b:s6+s11], $0x20, s22, s11, $0xb8;
	[tilespmem:$0x10C00] =	vst v63  }
0x11a: {  	_ = 	snop  }
0x11b: {  	[tilespmem:s25], [sflag:$0x4] =	stream.indirect.gather [hbm4b:s6+s11], $0x20, s24, s11, $0xb8;
	[tilespmem:$0x10C00] =	vst v63  }
0x11c: {  	_ = 	snop  }
0x11d: {  	[tilespmem:s28], [sflag:$0x4] =	stream.indirect.gather [hbm4b:s6+s11], $0x20, s26, s11, $0xb8;
	[tilespmem:$0x10C00] =	vst v63  }
.LBB2_27:
0x11e: {  	p0 =	sgt.u32 s0, $0xC8  }
.Ltmp18:
0x11f: {  	_ = 	snop;
	(pc) =	sbr.rel @p0 .LBB2_51-.Ltmp18, $1  }
0x120: {  	_ =	sdelay $0x3  }
0x121: {  	_ =	swait.ge [sflag:s15], $0x1000  }
0x122: {  	[sflag:s15] =	ssyncset.done $0x0  }
0x123: {  	[sflag:s15] =	ssyncadd.s32 $0xFFFFF000  }
0x124: {  	_ =	swait.ge [sflag:s15], $0x1000  }
0x125: {  	[sflag:s15] =	ssyncset.done $0x0  }
0x126: {  	[sflag:s15] =	ssyncadd.s32 $0xFFFFF000  }
0x127: {  	_ =	swait.ge [sflag:s15], $0x1000  }
0x128: {  	[sflag:s15] =	ssyncset.done $0x0  }
0x129: {  	[sflag:s15] =	ssyncadd.s32 $0xFFFFF000  }
0x12a: {  	_ =	swait.ge [sflag:s15], $0x1000  }
0x12b: {  	p0 =	seq.s32 s30, $0x0;
	[sflag:s15] =	ssyncset.done $0x0  }
0x12c: {  	s0 =	simm.s32 @!p0 $0x5;
	[sflag:s15] =	ssyncadd.s32 $0xFFFFF000  }
0x12d: {  	s2 =	simm.s32 $0x3;
	_ =	swait.ge @!p0 [sflag:s0], $0x4000  }
0x12e: {  	v8 =	vmov s2;
	[sflag:s0] =	ssyncset.done @!p0 $0x0  }
0x12f: {  	s7 =	simm.s32 $0x440;
	s17 =	simm.s32 $0x0;
	v8 =	vand.u32 $0x7F, v8;
	[sflag:s0] =	ssyncadd.s32 @!p0 $0xFFFFC000  }
0x130: {  	v9 =	vmov s17;
	v19 =	vadd.s32 v0, v8;
	v16 =	vld [tilespmem:s7+$0x20]  }
0x131: {  	s18 =	simm.s32 $0x1;
	v9 =	vand.u32 $0x7C, v9;
	v25 =	vadd.s32 v1, v8;
	v24 =	vld [tilespmem:s7+$0x30]  }
0x132: {  	v10 =	vmov s18;
	v21 =	vadd.s32 v0, v9;
	v17 =	vld [tilespmem:s7+$0xFFFFFFC0]  }
0x133: {  	s29 =	simm.s32 $0x2;
	v10 =	vand.u32 $0x7D, v10;
	v18 =	vadd.s32 v1, v9;
	v12 =	vld [tilespmem:s7+$0xFFFFFFD0]  }
0x134: {  	v11 =	vmov s29;
	v15 =	vadd.s32 v0, v10;
	v13 =	vld [tilespmem:s7+$0xFFFFFFE0]  }
0x135: {  	s2 =	simm.s32 $0x7;
	v22 =	vand.u32 $0x7E, v11;
	v14 =	vld [tilespmem:s7+$0xFFFFFFF0];
	[tilespmem:v19+s16+$0x0] =	vst.idx.msk $0xffff, v16;
	v19 =	vadd.s32 v1, v10  }
0x136: {  	s10 =	simm.s32 $0x4;
	s17 =	simm.s32 $0x8;
	v23 =	vmov s2;
	v20 =	vadd.s32 v0, v22;
	s0 =	simm.s32 $0x4;
	v16 =	vld [tilespmem:s7+$0x0];
	[tilespmem:v25+s16+$0x0] =	vst.idx.msk $0xffff, v24  }
.LBB2_29:
0x137: {  	p0 =	slt.u32 s17, $0x7C;
	v23 =	vand.u32 $0x7F, v23;
	[tilespmem:v21+s16+$0x0] =	vst.idx.msk $0xffff, v17;
	v24 =	vld [tilespmem:s7+$0x10];
	v22 =	vadd.s32 v1, v22;
	s7 =	sadd.s32 $0x80, s7  }
0x138: {  	v17 =	vmov s10;
	v25 =	vld [tilespmem:s7+$0x20];
	v26 =	vadd.s32 v0, v23;
	[tilespmem:v18+s16+$0x0] =	vst.idx.msk $0xffff, v12  }
0x139: {  	s18 =	sadd.s32 $0x1, s10;
	v18 =	vand.u32 $0x7C, v17;
	v28 =	vadd.s32 v1, v23;
	v27 =	vld [tilespmem:s7+$0x30];
	[tilespmem:v15+s16+$0x0] =	vst.idx.msk $0xffff, v13  }
.Ltmp19:
0x13a: {  	v21 =	vadd.s32 v0, v18;
	v13 =	vmov s18;
	v17 =	vld [tilespmem:s7+$0xFFFFFFC0];
	[tilespmem:v19+s16+$0x0] =	vst.idx.msk $0xffff, v14;
	(pc) =	sbr.rel @p0 .LBB2_29-.Ltmp19, $4  }
0x13b: {  	v18 =	vadd.s32 v1, v18;
	s18 =	sadd.s32 $0x2, s10;
	s10 =	smov.u32 s17;
	v19 =	vand.u32 $0x7D, v13;
	v12 =	vld [tilespmem:s7+$0xFFFFFFD0];
	[tilespmem:v20+s16+$0x0] =	vst.idx.msk $0xffff, v16  }
0x13c: {  	v15 =	vadd.s32 v0, v19;
	v16 =	vmov s18;
	v13 =	vld [tilespmem:s7+$0xFFFFFFE0];
	[tilespmem:v22+s16+$0x0] =	vst.idx.msk $0xffff, v24  }
0x13d: {  	s18 =	sadd.s32 $0x3, s17;
	v19 =	vadd.s32 v1, v19;
	v22 =	vand.u32 $0x7E, v16;
	v14 =	vld [tilespmem:s7+$0xFFFFFFF0];
	[tilespmem:v26+s16+$0x0] =	vst.idx.msk $0xffff, v25  }
0x13e: {  	s17 =	sadd.s32 $0x4, s17;
	v23 =	vmov s18;
	v20 =	vadd.s32 v0, v22;
	v16 =	vld [tilespmem:s7+$0x0];
	[tilespmem:v28+s16+$0x0] =	vst.idx.msk $0xffff, v27  }
0x13f: {  	_ =	sdelay $0x3  }
0x140: {  	v23 =	vand.u32 $0x7F, v23;
	[tilespmem:v21+s16+$0x0] =	vst.idx.msk $0xffff, v17;
	v17 =	vld [tilespmem:s7+$0x10];
	v55 =	vadd.s32 v1, v22;
	s18 =	sadd.s32 $0x80, s7  }
0x141: {  	v56 =	vmov s10;
	v24 =	vld [tilespmem:s18+$0x20];
	v25 =	vadd.s32 v0, v23;
	[tilespmem:v18+s16+$0x0] =	vst.idx.msk $0xffff, v12  }
0x142: {  	s29 =	sadd.s32 $0x2, s10;
	v12 =	vand.u32 $0x7C, v56;
	v18 =	vld [tilespmem:s18+$0x30];
	v57 =	vadd.s32 v1, v23;
	[tilespmem:v15+s16+$0x0] =	vst.idx.msk $0xffff, v13  }
0x143: {  	s17 =	sadd.s32 $0x1, s10;
	v59 =	vmov s29;
	v13 =	vld [tilespmem:s18+$0xFFFFFFC0];
	v15 =	vadd.s32 v0, v12;
	[tilespmem:v19+s16+$0x0] =	vst.idx.msk $0xffff, v14  }
0x144: {  	v58 =	vmov s17;
	v12 =	vadd.s32 v1, v12;
	v60 =	vand.u32 $0x7E, v59;
	v14 =	vld [tilespmem:s18+$0xFFFFFFD0];
	[tilespmem:v20+s16+$0x0] =	vst.idx.msk $0xffff, v16  }
0x145: {  	v61 =	vld [tilespmem:s18+$0x0];
	v19 =	vand.u32 $0x7D, v58;
	v62 =	vadd.s32 v0, v60;
	[tilespmem:v55+s16+$0x0] =	vst.idx.msk $0xffff, v17  }
0x146: {  	v16 =	vld [tilespmem:s18+$0xFFFFFFE0];
	v20 =	vadd.s32 v0, v19;
	[tilespmem:v25+s16+$0x0] =	vst.idx.msk $0xffff, v24  }
0x147: {  	v19 =	vadd.s32 v1, v19;
	v17 =	vld [tilespmem:s18+$0xFFFFFFF0];
	[tilespmem:v57+s16+$0x0] =	vst.idx.msk $0xffff, v18  }
0x148: {  	[tilespmem:v15+s16+$0x0] =	vst.idx.msk $0xffff, v13;
	v13 =	vld [tilespmem:s18+$0x10];
	v15 =	vadd.s32 v1, v60  }
0x149: {  	[tilespmem:v12+s16+$0x0] =	vst.idx.msk $0xffff, v14  }
0x14a: {  	[tilespmem:v62+s16+$0x0] =	vst.idx.msk $0xffff, v61  }
0x14b: {  	[tilespmem:v20+s16+$0x0] =	vst.idx.msk $0xffff, v16  }
0x14c: {  	[tilespmem:v19+s16+$0x0] =	vst.idx.msk $0xffff, v17  }
0x14d: {  	s7 =	simm.s32 $0x1470;
	[tilespmem:v15+s16+$0x0] =	vst.idx.msk $0xffff, v13  }
0x14e: {  	v19 =	vadd.s32 v2, v8;
	v14 =	vld [tilespmem:s7+$0xFFFFFFF0]  }
0x14f: {  	v63 =	vadd.s32 v3, v8;
	v20 =	vld [tilespmem:s7+$0x0]  }
0x150: {  	v17 =	vadd.s32 v2, v9;
	v16 =	vld [tilespmem:s7+$0xFFFFFF90]  }
0x151: {  	v15 =	vadd.s32 v3, v9;
	v12 =	vld [tilespmem:s7+$0xFFFFFFA0]  }
0x152: {  	v13 =	vadd.s32 v2, v10;
	v8 =	vld [tilespmem:s7+$0xFFFFFFB0]  }
0x153: {  	v18 =	vand.u32 $0x7E, v11;
	v11 =	vadd.s32 v3, v10;
	v9 =	vld [tilespmem:s7+$0xFFFFFFC0];
	[tilespmem:v19+s16+$0x0] =	vst.idx.msk $0xffff, v14  }
0x154: {  	v10 =	vld [tilespmem:s7+$0xFFFFFFD0];
	v19 =	vmov s2;
	s2 =	simm.s32 $0x8;
	v14 =	vadd.s32 v2, v18;
	[tilespmem:v63+s16+$0x0] =	vst.idx.msk $0xffff, v20  }
.LBB2_31:
0x155: {  	p0 =	slt.u32 s2, $0x7C;
	v19 =	vand.u32 $0x7F, v19;
	[tilespmem:v17+s16+$0x0] =	vst.idx.msk $0xffff, v16;
	v20 =	vld [tilespmem:s7+$0xFFFFFFE0];
	v18 =	vadd.s32 v3, v18;
	s7 =	sadd.s32 $0x80, s7  }
0x156: {  	v16 =	vmov s0;
	v21 =	vld [tilespmem:s7+$0xFFFFFFF0];
	v22 =	vadd.s32 v2, v19;
	[tilespmem:v15+s16+$0x0] =	vst.idx.msk $0xffff, v12  }
0x157: {  	s10 =	sadd.s32 $0x1, s0;
	v15 =	vand.u32 $0x7C, v16;
	v24 =	vadd.s32 v3, v19;
	v23 =	vld [tilespmem:s7+$0x0];
	[tilespmem:v13+s16+$0x0] =	vst.idx.msk $0xffff, v8  }
.Ltmp20:
0x158: {  	v17 =	vadd.s32 v2, v15;
	v8 =	vmov s10;
	v16 =	vld [tilespmem:s7+$0xFFFFFF90];
	[tilespmem:v11+s16+$0x0] =	vst.idx.msk $0xffff, v9;
	(pc) =	sbr.rel @p0 .LBB2_31-.Ltmp20, $4  }
0x159: {  	v15 =	vadd.s32 v3, v15;
	s10 =	sadd.s32 $0x2, s0;
	s0 =	smov.u32 s2;
	v11 =	vand.u32 $0x7D, v8;
	v12 =	vld [tilespmem:s7+$0xFFFFFFA0];
	[tilespmem:v14+s16+$0x0] =	vst.idx.msk $0xffff, v10  }
0x15a: {  	v13 =	vadd.s32 v2, v11;
	v10 =	vmov s10;
	v8 =	vld [tilespmem:s7+$0xFFFFFFB0];
	[tilespmem:v18+s16+$0x0] =	vst.idx.msk $0xffff, v20  }
0x15b: {  	s10 =	sadd.s32 $0x3, s2;
	v11 =	vadd.s32 v3, v11;
	v18 =	vand.u32 $0x7E, v10;
	v9 =	vld [tilespmem:s7+$0xFFFFFFC0];
	[tilespmem:v22+s16+$0x0] =	vst.idx.msk $0xffff, v21  }
0x15c: {  	s2 =	sadd.s32 $0x4, s2;
	v19 =	vmov s10;
	v14 =	vadd.s32 v2, v18;
	v10 =	vld [tilespmem:s7+$0xFFFFFFD0];
	[tilespmem:v24+s16+$0x0] =	vst.idx.msk $0xffff, v23  }
0x15d: {  	_ =	sdelay $0x3  }
0x15e: {  	v19 =	vand.u32 $0x7F, v19;
	[tilespmem:v17+s16+$0x0] =	vst.idx.msk $0xffff, v16;
	v16 =	vld [tilespmem:s7+$0xFFFFFFE0];
	v17 =	vadd.s32 v3, v18;
	s2 =	sadd.s32 $0x80, s7  }
0x15f: {  	v18 =	vmov s0;
	v20 =	vld [tilespmem:s2+$0xFFFFFFF0];
	v21 =	vadd.s32 v2, v19;
	[tilespmem:v15+s16+$0x0] =	vst.idx.msk $0xffff, v12  }
0x160: {  	s17 =	sadd.s32 $0x1, s0;
	v12 =	vand.u32 $0x7C, v18;
	v15 =	vld [tilespmem:s2+$0x0];
	v18 =	vadd.s32 v3, v19;
	[tilespmem:v13+s16+$0x0] =	vst.idx.msk $0xffff, v8  }
0x161: {  	v19 =	vmov s17;
	v8 =	vld [tilespmem:s2+$0xFFFFFF90];
	v13 =	vadd.s32 v2, v12;
	[tilespmem:v11+s16+$0x0] =	vst.idx.msk $0xffff, v9  }
0x162: {  	s18 =	sadd.s32 $0x2, s0;
	v9 =	vld [tilespmem:s2+$0xFFFFFFA0];
	v11 =	vadd.s32 v3, v12;
	v12 =	vand.u32 $0x7D, v19;
	[tilespmem:v14+s16+$0x0] =	vst.idx.msk $0xffff, v10  }
0x163: {  	v19 =	vmov s18;
	v10 =	vld [tilespmem:s2+$0xFFFFFFB0];
	v14 =	vadd.s32 v2, v12;
	[tilespmem:v17+s16+$0x0] =	vst.idx.msk $0xffff, v16  }
0x164: {  	v12 =	vadd.s32 v3, v12;
	v16 =	vld [tilespmem:s2+$0xFFFFFFC0];
	v17 =	vand.u32 $0x7E, v19;
	[tilespmem:v21+s16+$0x0] =	vst.idx.msk $0xffff, v20  }
0x165: {  	v19 =	vld [tilespmem:s2+$0xFFFFFFD0];
	v20 =	vadd.s32 v2, v17;
	[tilespmem:v18+s16+$0x0] =	vst.idx.msk $0xffff, v15  }
0x166: {  	p1 =	por $0x1, $0x1;
	[tilespmem:v13+s16+$0x0] =	vst.idx.msk $0xffff, v8;
	v13 =	vld [tilespmem:s2+$0xFFFFFFE0];
	v15 =	vadd.s32 v3, v17  }
.Ltmp21:
0x167: {  	[tilespmem:v11+s16+$0x0] =	vst.idx.msk $0xffff, v9;
	(pc) =	sbr.rel @!p1 .LBB2_36-.Ltmp21, $4  }
0x168: {  	[tilespmem:v14+s16+$0x0] =	vst.idx.msk $0xffff, v10  }
0x169: {  	s0 =	simm.s32 $0x0;
	s29 =	simm.s32 $0x3;
	[tilespmem:v12+s16+$0x0] =	vst.idx.msk $0xffff, v16  }
0x16a: {  	s7 =	simm.s32 $0x2470;
	p0 =	por $0x0, $0x0;
	s10 =	simm.s32 $0x0;
	v8 =	vmov s29;
	[tilespmem:v20+s16+$0x0] =	vst.idx.msk $0xffff, v19  }
0x16b: {  	p2 =	por $0x0, $0x0;
	s17 =	simm.s32 $0x2470;
	s2 =	simm.s32 $0x4;
	v20 =	vmov v8;
	[tilespmem:v15+s16+$0x0] =	vst.idx.msk $0xffff, v13  }
0x16c: {  	v9 =	vand.u32 $0x7F, v8  }
0x16d: {  	v16 =	vld [tilespmem:s7+$0xFFFFFFF0];
	v17 =	vadd.s32 v4, v9;
	v22 =	vadd.s32 v5, v9;
	v9 =	vmov s0  }
0x16e: {  	v21 =	vld [tilespmem:s7+$0x0];
	s10 =	simm.s32 $0x1;
	p3 =	por $0x1, $0x1;
	v12 =	vand.u32 $0x7C, v9  }
.Ltmp22:
0x16f: {  	v10 =	vld [tilespmem:s7+$0xFFFFFF90];
	v11 =	vmov s10;
	v13 =	vadd.s32 v4, v12;
	(pc) =	sbr.rel @!p3 .LBB2_34-.Ltmp22, $4  }
0x170: {  	s18 =	simm.s32 $0x2;
	v9 =	vld [tilespmem:s7+$0xFFFFFFA0];
	v18 =	vand.u32 $0x7D, v11;
	v15 =	vadd.s32 v5, v12  }
0x171: {  	v19 =	vmov s18;
	v11 =	vld [tilespmem:s7+$0xFFFFFFB0];
	v14 =	vadd.s32 v4, v18  }
0x172: {  	s29 =	simm.s32 $0x7;
	p2 =	por $0x1, $0x1;
	v19 =	vand.u32 $0x7E, v19;
	v12 =	vld [tilespmem:s7+$0xFFFFFFC0];
	[tilespmem:v17+s16+$0x0] =	vst.idx.msk $0xffff, v16;
	v17 =	vadd.s32 v5, v18  }
0x173: {  	s17 =	simm.s32 $0x2470;
	s18 =	simm.s32 $0x8;
	v20 =	vmov s29;
	s10 =	simm.s32 $0x4;
	v16 =	vld [tilespmem:s7+$0xFFFFFFD0];
	v18 =	vadd.s32 v4, v19;
	[tilespmem:v22+s16+$0x0] =	vst.idx.msk $0xffff, v21  }
.LBB2_35:
0x174: {  	p3 =	slt.u32 s18, $0x7C;
	v20 =	vand.u32 $0x7F, v20;
	[tilespmem:v13+s16+$0x0] =	vst.idx.msk $0xffff, v10;
	v21 =	vld [tilespmem:s17+$0xFFFFFFE0];
	v19 =	vadd.s32 v5, v19;
	s17 =	sadd.s32 $0x80, s17  }
0x175: {  	v10 =	vmov s10;
	v22 =	vld [tilespmem:s17+$0xFFFFFFF0];
	v23 =	vadd.s32 v4, v20;
	[tilespmem:v15+s16+$0x0] =	vst.idx.msk $0xffff, v9  }
0x176: {  	s29 =	sadd.s32 $0x1, s10;
	v15 =	vand.u32 $0x7C, v10;
	v25 =	vadd.s32 v5, v20;
	v24 =	vld [tilespmem:s17+$0x0];
	[tilespmem:v14+s16+$0x0] =	vst.idx.msk $0xffff, v11  }
.Ltmp23:
0x177: {  	v13 =	vadd.s32 v4, v15;
	v11 =	vmov s29;
	v10 =	vld [tilespmem:s17+$0xFFFFFF90];
	[tilespmem:v17+s16+$0x0] =	vst.idx.msk $0xffff, v12;
	(pc) =	sbr.rel @p3 .LBB2_35-.Ltmp23, $4  }
0x178: {  	v15 =	vadd.s32 v5, v15;
	s29 =	sadd.s32 $0x2, s10;
	s10 =	smov.u32 s18;
	v17 =	vand.u32 $0x7D, v11;
	v9 =	vld [tilespmem:s17+$0xFFFFFFA0];
	[tilespmem:v18+s16+$0x0] =	vst.idx.msk $0xffff, v16  }
0x179: {  	v14 =	vadd.s32 v4, v17;
	v16 =	vmov s29;
	v11 =	vld [tilespmem:s17+$0xFFFFFFB0];
	[tilespmem:v19+s16+$0x0] =	vst.idx.msk $0xffff, v21  }
0x17a: {  	s29 =	sadd.s32 $0x3, s18;
	v17 =	vadd.s32 v5, v17;
	v19 =	vand.u32 $0x7E, v16;
	v12 =	vld [tilespmem:s17+$0xFFFFFFC0];
	[tilespmem:v23+s16+$0x0] =	vst.idx.msk $0xffff, v22  }
0x17b: {  	s18 =	sadd.s32 $0x4, s18;
	v20 =	vmov s29;
	v18 =	vadd.s32 v4, v19;
	v16 =	vld [tilespmem:s17+$0xFFFFFFD0];
	[tilespmem:v25+s16+$0x0] =	vst.idx.msk $0xffff, v24  }
.LBB2_36:
0x17c: {  	_ =	sdelay $0x2  }
0x17d: {  	s18 =	sadd.s32 @p2 $0x80, s17  }
0x17e: {  	v21 =	vld @p2 [tilespmem:s17+$0xFFFFFFE0];
	v20 =	vand.u32 $0x7F, v20;
	[tilespmem:v13+s16+$0x0] =	vst.idx.msk @p2 $0xffff, v10;
	v10 =	vadd.s32 @p2 v5, v19;
	v50 =	vmov s10;
	s7 =	smov.u32 @p2 s18  }
0x17f: {  	v22 =	vadd.s32 v4, v20;
	[tilespmem:v15+s16+$0x0] =	vst.idx.msk @p2 $0xffff, v9;
	v9 =	vand.u32 $0x7C, v50;
	v51 =	vld [tilespmem:s7+$0xFFFFFFF0]  }
0x180: {  	s29 =	sadd.s32 $0x2, s10;
	[tilespmem:v14+s16+$0x0] =	vst.idx.msk @p2 $0xffff, v11;
	v11 =	vld [tilespmem:s7+$0xFFFFFF90];
	v54 =	vadd.s32 v4, v9  }
0x181: {  	s18 =	sadd.s32 $0x1, s10;
	v53 =	vadd.s32 v5, v20;
	v60 =	vmov s29;
	v52 =	vld [tilespmem:s7+$0x0];
	[tilespmem:v17+s16+$0x0] =	vst.idx.msk @p2 $0xffff, v12  }
0x182: {  	v55 =	vmov s18;
	v56 =	vld [tilespmem:s7+$0xFFFFFFA0];
	v9 =	vadd.s32 v5, v9;
	v20 =	vand.u32 $0x7E, v60;
	[tilespmem:v18+s16+$0x0] =	vst.idx.msk @p2 $0xffff, v16  }
0x183: {  	v61 =	vld [tilespmem:s7+$0xFFFFFFD0];
	v57 =	vand.u32 $0x7D, v55;
	v62 =	vadd.s32 v4, v20;
	[tilespmem:v10+s16+$0x0] =	vst.idx.msk @p2 $0xffff, v21  }
0x184: {  	v58 =	vld [tilespmem:s7+$0xFFFFFFB0];
	v59 =	vadd.s32 v4, v57;
	[tilespmem:v22+s16+$0x0] =	vst.idx.msk $0xffff, v51  }
0x185: {  	v17 =	vadd.s32 v5, v57;
	v10 =	vld [tilespmem:s7+$0xFFFFFFC0];
	[tilespmem:v54+s16+$0x0] =	vst.idx.msk $0xffff, v11  }
0x186: {  	v63 =	vadd.s32 v5, v20;
	v11 =	vld [tilespmem:s7+$0xFFFFFFE0];
	[tilespmem:v53+s16+$0x0] =	vst.idx.msk $0xffff, v52  }
.Ltmp24:
0x187: {  	[tilespmem:v9+s16+$0x0] =	vst.idx.msk $0xffff, v56;
	(pc) =	sbr.rel @!p1 .LBB2_37-.Ltmp24, $4  }
0x188: {  	[tilespmem:v62+s16+$0x0] =	vst.idx.msk $0xffff, v61  }
0x189: {  	[tilespmem:v59+s16+$0x0] =	vst.idx.msk $0xffff, v58  }
0x18a: {  	[tilespmem:v17+s16+$0x0] =	vst.idx.msk $0xffff, v10  }
0x18b: {  	s7 =	simm.s32 $0x3470;
	[tilespmem:v63+s16+$0x0] =	vst.idx.msk $0xffff, v11  }
0x18c: {  	v8 =	vand.u32 $0x7F, v8  }
0x18d: {  	v16 =	vld [tilespmem:s7+$0xFFFFFFF0];
	v17 =	vadd.s32 v6, v8;
	v21 =	vadd.s32 v7, v8;
	v8 =	vmov s0  }
0x18e: {  	v20 =	vld [tilespmem:s7+$0x0];
	s17 =	simm.s32 $0x1;
	p1 =	por $0x1, $0x1;
	v8 =	vand.u32 $0x7C, v8  }
.Ltmp25:
0x18f: {  	v11 =	vld [tilespmem:s7+$0xFFFFFF90];
	v10 =	vmov s17;
	v15 =	vadd.s32 v6, v8;
	(pc) =	sbr.rel @!p1 .LBB2_39-.Ltmp25, $4  }
0x190: {  	v9 =	vld [tilespmem:s7+$0xFFFFFFA0];
	s18 =	simm.s32 $0x2;
	v18 =	vand.u32 $0x7D, v10;
	v14 =	vadd.s32 v7, v8  }
0x191: {  	v19 =	vmov s18;
	v10 =	vld [tilespmem:s7+$0xFFFFFFB0];
	v13 =	vadd.s32 v6, v18  }
0x192: {  	s29 =	simm.s32 $0x7;
	v12 =	vld [tilespmem:s7+$0xFFFFFFC0];
	v19 =	vand.u32 $0x7E, v19;
	[tilespmem:v17+s16+$0x0] =	vst.idx.msk $0xffff, v16;
	v17 =	vadd.s32 v7, v18  }
0x193: {  	p0 =	por $0x1, $0x1;
	s10 =	simm.s32 $0x3470;
	s0 =	simm.s32 $0x8;
	v8 =	vmov s29;
	v16 =	vld [tilespmem:s7+$0xFFFFFFD0];
	v18 =	vadd.s32 v6, v19;
	[tilespmem:v21+s16+$0x0] =	vst.idx.msk $0xffff, v20  }
.LBB2_40:
0x194: {  	p1 =	slt.u32 s0, $0x7C;
	v8 =	vand.u32 $0x7F, v8;
	[tilespmem:v15+s16+$0x0] =	vst.idx.msk $0xffff, v11;
	v20 =	vld [tilespmem:s10+$0xFFFFFFE0];
	v19 =	vadd.s32 v7, v19;
	s10 =	sadd.s32 $0x80, s10  }
0x195: {  	v11 =	vmov s2;
	v21 =	vld [tilespmem:s10+$0xFFFFFFF0];
	v22 =	vadd.s32 v6, v8;
	[tilespmem:v14+s16+$0x0] =	vst.idx.msk $0xffff, v9  }
0x196: {  	s17 =	sadd.s32 $0x1, s2;
	v14 =	vand.u32 $0x7C, v11;
	v24 =	vadd.s32 v7, v8;
	v23 =	vld [tilespmem:s10+$0x0];
	[tilespmem:v13+s16+$0x0] =	vst.idx.msk $0xffff, v10  }
.Ltmp26:
0x197: {  	v8 =	vmov s17;
	v15 =	vadd.s32 v6, v14;
	v11 =	vld [tilespmem:s10+$0xFFFFFF90];
	[tilespmem:v17+s16+$0x0] =	vst.idx.msk $0xffff, v12;
	(pc) =	sbr.rel @p1 .LBB2_40-.Ltmp26, $4  }
0x198: {  	s17 =	sadd.s32 $0x2, s2;
	s2 =	smov.u32 s0;
	v14 =	vadd.s32 v7, v14;
	v8 =	vand.u32 $0x7D, v8;
	v9 =	vld [tilespmem:s10+$0xFFFFFFA0];
	[tilespmem:v18+s16+$0x0] =	vst.idx.msk $0xffff, v16  }
0x199: {  	v13 =	vadd.s32 v6, v8;
	v16 =	vmov s17;
	v10 =	vld [tilespmem:s10+$0xFFFFFFB0];
	[tilespmem:v19+s16+$0x0] =	vst.idx.msk $0xffff, v20  }
0x19a: {  	v17 =	vadd.s32 v7, v8;
	s17 =	sadd.s32 $0x3, s0;
	v19 =	vand.u32 $0x7E, v16;
	v12 =	vld [tilespmem:s10+$0xFFFFFFC0];
	[tilespmem:v22+s16+$0x0] =	vst.idx.msk $0xffff, v21  }
0x19b: {  	s0 =	sadd.s32 $0x4, s0;
	v8 =	vmov s17;
	v18 =	vadd.s32 v6, v19;
	v16 =	vld [tilespmem:s10+$0xFFFFFFD0];
	[tilespmem:v24+s16+$0x0] =	vst.idx.msk $0xffff, v23  }
0x19c: {  	s0 =	smov.u32 s2  }
.LBB2_42:
0x19d: {  	_ =	sdelay $0x2  }
0x19e: {  	s2 =	sadd.s32 @p0 $0x80, s10  }
0x19f: {  	v8 =	vand.u32 $0x7F, v8;
	[tilespmem:v15+s16+$0x0] =	vst.idx.msk @p0 $0xffff, v11;
	v11 =	vld @p0 [tilespmem:s10+$0xFFFFFFE0];
	v15 =	vadd.s32 @p0 v7, v19;
	v47 =	vmov s0;
	s7 =	smov.u32 @p0 s2  }
0x1a0: {  	v21 =	vadd.s32 v6, v8;
	[tilespmem:v14+s16+$0x0] =	vst.idx.msk @p0 $0xffff, v9;
	v48 =	vand.u32 $0x7C, v47;
	v20 =	vld [tilespmem:s7+$0xFFFFFFF0]  }
0x1a1: {  	s10 =	sadd.s32 $0x1, s0;
	[tilespmem:v13+s16+$0x0] =	vst.idx.msk @p0 $0xffff, v10;
	v50 =	vld [tilespmem:s7+$0xFFFFFF90];
	v51 =	vadd.s32 v6, v48  }
0x1a2: {  	s17 =	sadd.s32 $0x2, s0;
	v8 =	vadd.s32 v7, v8;
	v52 =	vmov s10;
	v49 =	vld [tilespmem:s7+$0x0];
	[tilespmem:v17+s16+$0x0] =	vst.idx.msk @p0 $0xffff, v12  }
0x1a3: {  	v57 =	vmov s17;
	v53 =	vld [tilespmem:s7+$0xFFFFFFA0];
	v9 =	vadd.s32 v7, v48;
	v54 =	vand.u32 $0x7D, v52;
	[tilespmem:v18+s16+$0x0] =	vst.idx.msk @p0 $0xffff, v16  }
0x1a4: {  	v55 =	vld [tilespmem:s7+$0xFFFFFFB0];
	v60 =	vand.u32 $0x7E, v57;
	v56 =	vadd.s32 v6, v54;
	[tilespmem:v15+s16+$0x0] =	vst.idx.msk @p0 $0xffff, v11  }
0x1a5: {  	v61 =	vld [tilespmem:s7+$0xFFFFFFD0];
	v62 =	vadd.s32 v6, v60;
	[tilespmem:v21+s16+$0x0] =	vst.idx.msk $0xffff, v20  }
0x1a6: {  	v58 =	vld [tilespmem:s7+$0xFFFFFFC0];
	v59 =	vadd.s32 v7, v54;
	[tilespmem:v51+s16+$0x0] =	vst.idx.msk $0xffff, v50  }
0x1a7: {  	s18 =	sadd.s32 s5, s31;
	v63 =	vadd.s32 v7, v60;
	[tilespmem:v8+s16+$0x0] =	vst.idx.msk $0xffff, v49;
	v8 =	vld [tilespmem:s7+$0xFFFFFFE0]  }
0x1a8: {  	s29 =	sshll.u32 s18, $0x9;
	[tilespmem:v9+s16+$0x0] =	vst.idx.msk $0xffff, v53  }
0x1a9: {  	s0 =	sshll.u32 s18, $0xB;
	s2 =	sand.u32 $0x3C00, s29;
	[tilespmem:v56+s16+$0x0] =	vst.idx.msk $0xffff, v55  }
0x1aa: {  	s0 =	sand.u32 $0xFFF0000, s0;
	s2 =	sadd.s32 s3, s2;
	[tilespmem:v62+s16+$0x0] =	vst.idx.msk $0xffff, v61  }
0x1ab: {  	s10 =	simm.s32 $0x8488;
	s0 =	sadd.s32 s0, s2;
	[tilespmem:v59+s16+$0x0] =	vst.idx.msk $0xffff, v58  }
0x1ac: {  	s2 =	simm.s32 $0x8400;
	s17 =	sadd.s32 $0x0, s0;
	s7 =	simm.s32 $0x10;
	[tilespmem:v63+s16+$0x0] =	vst.idx.msk $0xffff, v8  }
.LBB2_43:
0x1ad: {  	[hbm4b:s17+s4] =	stream.linear.scatter [tilespmem:s2], [sflag:$0x5], $0x80, $0x38;
	[tilespmem:$0x10C00] =	vst v63  }
0x1ae: {  	s17 =	smov.u32 s7;
	s2 =	smov.u32 s10;
	p0 =	sne.s32 s7, $0x1F0  }
.Ltmp27:
0x1af: {  	s7 =	sadd.s32 $0x10, s7;
	(pc) =	sbr.rel @p0 .LBB2_43-.Ltmp27, $2  }
0x1b0: {  	_ =	sdelay $0x2  }
0x1b1: {  	s10 =	sadd.s32 $0x88, s10;
	s17 =	sadd.s32 s17, s0  }
0x1b2: {  	[hbm4b:s17+s4] =	stream.linear.scatter [tilespmem:s2], [sflag:$0x5], $0x80, $0x38;
	[tilespmem:$0x10C00] =	vst v63  }
0x1b3: {  	s2 =	sadd.s32 $0x4000, s0;
	s7 =	simm.s32 $0x9500  }
0x1b4: {  	s10 =	simm.s32 $0x10;
	s17 =	simm.s32 $0x9588;
	s18 =	sadd.s32 $0x0, s2  }
.LBB2_45:
0x1b5: {  	[hbm4b:s18+s4] =	stream.linear.scatter [tilespmem:s7], [sflag:$0x5], $0x80, $0x38;
	[tilespmem:$0x10C00] =	vst v63  }
0x1b6: {  	s18 =	smov.u32 s10;
	s7 =	smov.u32 s17;
	p0 =	sne.s32 s10, $0x1F0  }
.Ltmp28:
0x1b7: {  	s10 =	sadd.s32 $0x10, s10;
	(pc) =	sbr.rel @p0 .LBB2_45-.Ltmp28, $2  }
0x1b8: {  	_ =	sdelay $0x2  }
0x1b9: {  	s17 =	sadd.s32 $0x88, s17;
	s18 =	sadd.s32 s18, s2  }
0x1ba: {  	[hbm4b:s18+s4] =	stream.linear.scatter [tilespmem:s7], [sflag:$0x5], $0x80, $0x38;
	[tilespmem:$0x10C00] =	vst v63  }
0x1bb: {  	s2 =	sadd.s32 $0x8000, s0;
	s7 =	simm.s32 $0xA600  }
0x1bc: {  	s10 =	simm.s32 $0x10;
	s17 =	simm.s32 $0xA688;
	s18 =	sadd.s32 $0x0, s2  }
.LBB2_47:
0x1bd: {  	[hbm4b:s18+s4] =	stream.linear.scatter [tilespmem:s7], [sflag:$0x5], $0x80, $0x38;
	[tilespmem:$0x10C00] =	vst v63  }
0x1be: {  	s18 =	smov.u32 s10;
	s7 =	smov.u32 s17;
	p0 =	sne.s32 s10, $0x1F0  }
.Ltmp29:
0x1bf: {  	s10 =	sadd.s32 $0x10, s10;
	(pc) =	sbr.rel @p0 .LBB2_47-.Ltmp29, $2  }
0x1c0: {  	_ =	sdelay $0x2  }
0x1c1: {  	s17 =	sadd.s32 $0x88, s17;
	s18 =	sadd.s32 s18, s2  }
0x1c2: {  	[hbm4b:s18+s4] =	stream.linear.scatter [tilespmem:s7], [sflag:$0x5], $0x80, $0x38;
	[tilespmem:$0x10C00] =	vst v63  }
0x1c3: {  	s0 =	sadd.s32 $0xC000, s0;
	s2 =	simm.s32 $0xB700  }
0x1c4: {  	s7 =	simm.s32 $0x10;
	s10 =	simm.s32 $0xB788;
	s17 =	sadd.s32 $0x0, s0  }
.LBB2_49:
0x1c5: {  	[hbm4b:s17+s4] =	stream.linear.scatter [tilespmem:s2], [sflag:$0x5], $0x80, $0x38;
	[tilespmem:$0x10C00] =	vst v63  }
0x1c6: {  	s17 =	smov.u32 s7;
	s2 =	smov.u32 s10;
	p0 =	sne.s32 s7, $0x1F0  }
.Ltmp30:
0x1c7: {  	s7 =	sadd.s32 $0x10, s7;
	(pc) =	sbr.rel @p0 .LBB2_49-.Ltmp30, $2  }
0x1c8: {  	_ =	sdelay $0x2  }
0x1c9: {  	s10 =	sadd.s32 $0x88, s10;
	s17 =	sadd.s32 s17, s0  }
.Ltmp31:
0x1ca: {  	(pc) =	sbr.rel .LBB2_51-.Ltmp31, $2  }
0x1cb: {  	_ =	sdelay $0x2  }
0x1cc: {  	[hbm4b:s17+s4] =	stream.linear.scatter [tilespmem:s2], [sflag:$0x5], $0x80, $0x38;
	[tilespmem:$0x10C00] =	vst v63  }
.LBB2_12:
.Ltmp32:
0x1cd: {  	(pc) =	sbr.rel .LBB2_17-.Ltmp32, $2  }
0x1ce: {  	_ =	sdelay $0x2  }
0x1cf: {  	s10 =	simm.s32 $0x7470  }
.LBB2_37:
.Ltmp33:
0x1d0: {  	(pc) =	sbr.rel .LBB2_42-.Ltmp33, $2  }
0x1d1: {  	_ =	sdelay $0x2  }
0x1d2: {  	s10 =	simm.s32 $0x3470  }
.LBB2_9:
.Ltmp34:
0x1d3: {  	(pc) =	sbr.rel .LBB2_11-.Ltmp34, $2  }
0x1d4: {  	_ =	sdelay $0x2  }
0x1d5: {  	s17 =	simm.s32 $0x6470;
	s10 =	simm.s32 $0x4  }
.LBB2_14:
.Ltmp35:
0x1d6: {  	(pc) =	sbr.rel .LBB2_17-.Ltmp35, $2  }
0x1d7: {  	_ =	sdelay $0x2  }
0x1d8: {  	s10 =	simm.s32 $0x7470;
	s0 =	simm.s32 $0x4  }
.LBB2_34:
.Ltmp36:
0x1d9: {  	(pc) =	sbr.rel .LBB2_36-.Ltmp36, $2  }
0x1da: {  	_ =	sdelay $0x2  }
0x1db: {  	s17 =	simm.s32 $0x2470;
	s10 =	simm.s32 $0x4  }
.LBB2_39:
.Ltmp37:
0x1dc: {  	(pc) =	sbr.rel .LBB2_42-.Ltmp37, $2  }
0x1dd: {  	_ =	sdelay $0x2  }
0x1de: {  	s10 =	simm.s32 $0x3470;
	s0 =	simm.s32 $0x4  }
.LBB2_53:
0x1df: {  	_ =	sfence.sel $0x180000  }
0x1e0: {  	[bflag:$0x0] =	sbarrier.arrive $0xFFFF  }
0x1e1: {  	_ =	strace $0x90000047  }
0x1e2: {  	s0 =	stileid.u32;
	[bflag:$0x2] =	sbarrier.arrive $0xFFFF  }
0x1e3: {  	p0 =	sne.s32 s0, $0x0;
	s0 =	rddreg [dreg:$0x3]  }
0x1e4: {  	s0 =	sadd.s32 @!p0 $0x100000, s0  }
0x1e5: {  	[sflag:s0] =	ssyncadd.tile.s32 @!p0 $0x1;
	_ =	shalt  }
.Lfunc_end2:
_tile_overlayer_lowered:
.L_overlay_start_2:
0x1e6: {  	(tag) =	ssettag $0x2  }
0x1e7: {  	s0 =	rddreg [dreg:$0x0];
	s2 =	stileid.u32  }
0x1e8: {  	s1 =	rddreg [dreg:$0x1];
	p0 =	sne.s32 s2, $0x0  }
0x1e9: {  	s3 =	rddreg [dreg:$0x2];
	[bflag:$0x3] =	sbarrier.arrive $0xFFFF;
	s2 =	simm.s32 @!p0 $0x1C07  }
0x1ea: {  	[timem:s3], [sflag:s2] =	dma.local @!p0 [hbm:s0], s1  }
0x1eb: {  	s0 =	simm.s32 @!p0 $0x7  }
0x1ec: {  	_ =	swait.ge @!p0 [sflag:s0], s1  }
0x1ed: {  	s1 =	ssub.s32 @!p0 $0x0, s1;
	[sflag:s0] =	ssyncset.done @!p0 $0x0  }
0x1ee: {  	[sflag:s0] =	ssyncadd.s32 @!p0 s1  }
0x1ef: {  	[bflag:$0x3] =	sbarrier.arrive $0xFFFF  }
0x1f0: {  	_ =	shalt  }

</sc_bundles>
